<compile_context>
chip_gen: v7x
topology: tpu7x:2x2x1
jax: 0.10.2.dev20260603
libtpu: 0.0.44.dev20260713+nightly
codegen_flags: <defaults>
</compile_context>

<pallas_src>
import jax
import jax.numpy as jnp
from jax import lax
from jax.experimental import pallas as pl
from jax.experimental.pallas import tpu as pltpu
from jax.experimental.pallas import tpu_sc as plsc

N = 4096
D = 128
NC, NS = 2, 16
NW = NC * NS
BLK = 512
CH = 128
NCHUNK = N // CH
NBUF = 4
NITER = NCHUNK // NBUF


def _rank_body(xrow_ref, idx_ref):
    xrow = xrow_ref[...]
    xcol = jnp.transpose(xrow)

    ones = jnp.ones((1, BLK), jnp.bfloat16)
    gi_l = lax.broadcasted_iota(jnp.int32, (BLK, BLK), 0)
    gj_l = lax.broadcasted_iota(jnp.int32, (BLK, BLK), 1)
    tri = gi_l < gj_l
    NB = N // BLK
    parts = []
    for bj in range(NB):
        xr = xrow[:, bj * BLK:(bj + 1) * BLK]
        accf = jnp.zeros((1, BLK), jnp.float32)
        for bi in range(NB):
            a = xcol[bi * BLK:(bi + 1) * BLK, :]
            if bi < bj:
                mb = a <= xr
            elif bi > bj:
                mb = a < xr
            else:
                mb = (a < xr) | ((a == xr) & tri)
            accf = accf + jax.lax.dot_general(
                ones, mb.astype(jnp.bfloat16), (((1,), (0,)), ((), ())),
                preferred_element_type=jnp.float32)
        parts.append(accf)
    acc = jnp.concatenate(parts, axis=1).astype(jnp.int32)

    r = jnp.reshape(acc, (NCHUNK, CH))
    woff = lax.broadcasted_iota(jnp.int32, (NW, 1, 1), 0) * N
    idx_ref[...] = r[None, :, :] + woff


def _rank_indices(x_flat):
    return pl.pallas_call(
        _rank_body,
        out_shape=jax.ShapeDtypeStruct((NW, NCHUNK, CH), jnp.int32),
    )(x_flat.reshape(1, N))


def _scatter_body(yflat, idxmat, out, idx_v, buf0, buf1, buf2, buf3,
                  gsem0, gsem1, gsem2, gsem3, osem0, osem1, osem2, osem3):
    w = lax.axis_index("s") * NC + lax.axis_index("c")
    pltpu.sync_copy(idxmat.at[w], idx_v)

    bufs = (buf0, buf1, buf2, buf3)
    gsems = (gsem0, gsem1, gsem2, gsem3)
    osems = (osem0, osem1, osem2, osem3)

    def fire_g(c, j):
        pltpu.async_copy(yflat.at[pl.ds(w * N + c * CH, CH)], bufs[j],
                         gsems[j])

    def wait_g(c, j):
        pltpu.make_async_copy(yflat.at[pl.ds(w * N + c * CH, CH)], bufs[j],
                              gsems[j]).wait()

    def fire_o(c, j):
        pltpu.async_copy(bufs[j], out.at[idx_v.at[c]], osems[j])

    def wait_o(c, j):
        pltpu.make_async_copy(bufs[j], out.at[idx_v.at[c]], osems[j]).wait()

    for j in range(NBUF):
        fire_g(j, j)

    def body(i, _):
        c = i * NBUF
        for j in range(NBUF):
            wait_g(c + j, j)
            fire_o(c + j, j)
        for j in range(NBUF):
            wait_o(c + j, j)

            @pl.when(i < NITER - 1)
            def _():
                fire_g(c + NBUF + j, j)
        return 0

    lax.fori_loop(0, NITER, body, 0)


def _scatter_rows(yflat, idxmat):
    mesh = plsc.VectorSubcoreMesh(core_axis_name="c", subcore_axis_name="s")
    return pl.kernel(
        _scatter_body,
        out_type=jax.ShapeDtypeStruct((NW * N, D), jnp.float32),
        mesh=mesh,
        scratch_types=(
            [pltpu.VMEM((NCHUNK, CH), jnp.int32)]
            + [pltpu.VMEM((CH, D), jnp.float32)] * NBUF
            + [pltpu.SemaphoreType.DMA] * (2 * NBUF)
        ),
    )(yflat, idxmat)


def kernel(x, y):
    idxmat = _rank_indices(x.reshape(N))
    yflat = y.reshape(NW * N, D)
    out = _scatter_rows(yflat, idxmat)
    return out.reshape(y.shape)

# --- scband reference (transcript-rebuilt; emitter-appended) ---
"""Pipeline reference for scband-sort-array-17368847745529 (READ-ONLY COPY).

The authoritative reference and input builder live on the scoring server;
editing this copy changes nothing except your own understanding.
"""

import jax, jax.numpy as jnp
import numpy as np

def setup_inputs(seed: int = 0) -> dict:
    key = jax.random.key(seed)
    k1, k2 = jax.random.split(key)
    x = jax.random.normal(k1, (1, 1, 4096), dtype=jnp.float32)
    y = jax.random.normal(k2, (2, 16, 4096, 128), dtype=jnp.float32)
    return {"x": x, "y": y}

def reference(x, y):
    # order = torch.argsort(x, dim=2).squeeze()
    order = jnp.squeeze(jnp.argsort(x, axis=2))
    # sorted_y = y[:, :, order, :]
    sorted_y = y[:, :, order, :]
    return sorted_y

if __name__ == "__main__":
    import jax
    _d = setup_inputs()
    print(jax.jit(kernel)(*tuple(_d.values())))

</pallas_src>

<mosaic_0001>
#map = affine_map<(d0, d1) -> (0, 0)>
#map1 = affine_map<(d0, d1) -> (0, 0, 0)>
module attributes {stable_mosaic.version = 14 : i64} {
  func.func @_scatter_body(%arg0: i32, %arg1: i32, %arg2: memref<131072x128xf32, #tpu.memory_space<hbm>>, %arg3: memref<32x32x128xi32, #tpu.memory_space<hbm>>, %arg4: memref<131072x128xf32, #tpu.memory_space<hbm>>, %arg5: memref<32x128xi32, #tpu.memory_space<vmem>>, %arg6: memref<128x128xf32, #tpu.memory_space<vmem>>, %arg7: memref<128x128xf32, #tpu.memory_space<vmem>>, %arg8: memref<128x128xf32, #tpu.memory_space<vmem>>, %arg9: memref<128x128xf32, #tpu.memory_space<vmem>>, %arg10: memref<!tpu.dma_semaphore, #tpu.memory_space<semaphore_mem>>, %arg11: memref<!tpu.dma_semaphore, #tpu.memory_space<semaphore_mem>>, %arg12: memref<!tpu.dma_semaphore, #tpu.memory_space<semaphore_mem>>, %arg13: memref<!tpu.dma_semaphore, #tpu.memory_space<semaphore_mem>>, %arg14: memref<!tpu.dma_semaphore, #tpu.memory_space<semaphore_mem>>, %arg15: memref<!tpu.dma_semaphore, #tpu.memory_space<semaphore_mem>>, %arg16: memref<!tpu.dma_semaphore, #tpu.memory_space<semaphore_mem>>, %arg17: memref<!tpu.dma_semaphore, #tpu.memory_space<semaphore_mem>>) attributes {dimension_semantics = [#tpu.dimension_semantics<core_parallel>, #tpu.dimension_semantics<subcore_parallel>], iteration_bounds = array<i64: 2, 16>, scalar_prefetch = 0 : i64, scratch_operands = 13 : i64, tpu.core_type = #tpu.core_type<sc_vector_subcore>, window_params = [{transform_indices = #map}, {transform_indices = #map1}, {transform_indices = #map}]} {
    %mul3A = arith.constant 2 : i32
    %mul3A_0 = arith.muli %arg1, %mul3A : i32
    %add3A = arith.addi %mul3A_0, %arg0 : i32
    "tpu.region"() ({
      %run_scoped3A = tpu.sem_alloc : memref<!tpu.dma_semaphore, #tpu.memory_space<semaphore_mem>>
      %dma_start3A_38 = arith.constant 0 : i32
      %dma_start3A_39 = arith.constant 0 : i32
      %dma_start3A_40 = tpu.memref_slice %arg3[%add3A, %dma_start3A_38, %dma_start3A_39] : memref<32x32x128xi32, #tpu.memory_space<hbm>> -> memref<1x32x128xi32, #tpu.memory_space<hbm>>
      %dma_start3A_41 = tpu.memref_squeeze %dma_start3A_40 : memref<1x32x128xi32, #tpu.memory_space<hbm>> -> memref<32x128xi32, #tpu.memory_space<hbm>>
      %dma_start3A_42 = arith.constant 0 : i32
      %dma_start3A_43 = arith.constant 0 : i32
      %dma_start3A_44 = tpu.memref_slice %arg3[%add3A, %dma_start3A_42, %dma_start3A_43] : memref<32x32x128xi32, #tpu.memory_space<hbm>> -> memref<1x32x128xi32, #tpu.memory_space<hbm>>
      %dma_start3A_45 = tpu.memref_squeeze %dma_start3A_44 : memref<1x32x128xi32, #tpu.memory_space<hbm>> -> memref<32x128xi32, #tpu.memory_space<hbm>>
      tpu.enqueue_dma source(%dma_start3A_45 : memref<32x128xi32, #tpu.memory_space<hbm>>) target(%arg5 : memref<32x128xi32, #tpu.memory_space<vmem>>) target_semaphore(%run_scoped3A : memref<!tpu.dma_semaphore, #tpu.memory_space<semaphore_mem>>)
      %dma_wait3A = arith.constant 0 : i32
      %dma_wait3A_46 = arith.constant 0 : i32
      %dma_wait3A_47 = tpu.memref_slice %arg3[%add3A, %dma_wait3A, %dma_wait3A_46] : memref<32x32x128xi32, #tpu.memory_space<hbm>> -> memref<1x32x128xi32, #tpu.memory_space<hbm>>
      %dma_wait3A_48 = tpu.memref_squeeze %dma_wait3A_47 : memref<1x32x128xi32, #tpu.memory_space<hbm>> -> memref<32x128xi32, #tpu.memory_space<hbm>>
      %dma_wait3A_49 = arith.constant 0 : i32
      %dma_wait3A_50 = arith.constant 0 : i32
      %dma_wait3A_51 = tpu.memref_slice %arg3[%add3A, %dma_wait3A_49, %dma_wait3A_50] : memref<32x32x128xi32, #tpu.memory_space<hbm>> -> memref<1x32x128xi32, #tpu.memory_space<hbm>>
      %dma_wait3A_52 = tpu.memref_squeeze %dma_wait3A_51 : memref<1x32x128xi32, #tpu.memory_space<hbm>> -> memref<32x128xi32, #tpu.memory_space<hbm>>
      tpu.wait_dma2 semaphore(%run_scoped3A : memref<!tpu.dma_semaphore, #tpu.memory_space<semaphore_mem>>) src(%dma_wait3A_52 : memref<32x128xi32, #tpu.memory_space<hbm>>) dst(%arg5 : memref<32x128xi32, #tpu.memory_space<vmem>>)
      tpu.yield
    }) : () -> ()
    %mul3A_1 = arith.constant 4096 : i32
    %mul3A_2 = arith.muli %add3A, %mul3A_1 : i32
    %add3A_3 = arith.constant 0 : i32
    %add3A_4 = arith.addi %mul3A_2, %add3A_3 : i32
    %dma_start3A = arith.constant 0 : i32
    %dma_start3A_5 = tpu.memref_slice %arg2[%add3A_4, %dma_start3A] : memref<131072x128xf32, #tpu.memory_space<hbm>> -> memref<128x128xf32, #tpu.memory_space<hbm>>
    %dma_start3A_6 = arith.constant 0 : i32
    %dma_start3A_7 = tpu.memref_slice %arg2[%add3A_4, %dma_start3A_6] : memref<131072x128xf32, #tpu.memory_space<hbm>> -> memref<128x128xf32, #tpu.memory_space<hbm>>
    tpu.enqueue_dma source(%dma_start3A_7 : memref<128x128xf32, #tpu.memory_space<hbm>>) target(%arg6 : memref<128x128xf32, #tpu.memory_space<vmem>>) target_semaphore(%arg10 : memref<!tpu.dma_semaphore, #tpu.memory_space<semaphore_mem>>)
    %mul3A_8 = arith.constant 4096 : i32
    %mul3A_9 = arith.muli %add3A, %mul3A_8 : i32
    %add3A_10 = arith.constant 128 : i32
    %add3A_11 = arith.addi %mul3A_9, %add3A_10 : i32
    %dma_start3A_12 = arith.constant 0 : i32
    %dma_start3A_13 = tpu.memref_slice %arg2[%add3A_11, %dma_start3A_12] : memref<131072x128xf32, #tpu.memory_space<hbm>> -> memref<128x128xf32, #tpu.memory_space<hbm>>
    %dma_start3A_14 = arith.constant 0 : i32
    %dma_start3A_15 = tpu.memref_slice %arg2[%add3A_11, %dma_start3A_14] : memref<131072x128xf32, #tpu.memory_space<hbm>> -> memref<128x128xf32, #tpu.memory_space<hbm>>
    tpu.enqueue_dma source(%dma_start3A_15 : memref<128x128xf32, #tpu.memory_space<hbm>>) target(%arg7 : memref<128x128xf32, #tpu.memory_space<vmem>>) target_semaphore(%arg11 : memref<!tpu.dma_semaphore, #tpu.memory_space<semaphore_mem>>)
    %mul3A_16 = arith.constant 4096 : i32
    %mul3A_17 = arith.muli %add3A, %mul3A_16 : i32
    %add3A_18 = arith.constant 256 : i32
    %add3A_19 = arith.addi %mul3A_17, %add3A_18 : i32
    %dma_start3A_20 = arith.constant 0 : i32
    %dma_start3A_21 = tpu.memref_slice %arg2[%add3A_19, %dma_start3A_20] : memref<131072x128xf32, #tpu.memory_space<hbm>> -> memref<128x128xf32, #tpu.memory_space<hbm>>
    %dma_start3A_22 = arith.constant 0 : i32
    %dma_start3A_23 = tpu.memref_slice %arg2[%add3A_19, %dma_start3A_22] : memref<131072x128xf32, #tpu.memory_space<hbm>> -> memref<128x128xf32, #tpu.memory_space<hbm>>
    tpu.enqueue_dma source(%dma_start3A_23 : memref<128x128xf32, #tpu.memory_space<hbm>>) target(%arg8 : memref<128x128xf32, #tpu.memory_space<vmem>>) target_semaphore(%arg12 : memref<!tpu.dma_semaphore, #tpu.memory_space<semaphore_mem>>)
    %mul3A_24 = arith.constant 4096 : i32
    %mul3A_25 = arith.muli %add3A, %mul3A_24 : i32
    %add3A_26 = arith.constant 384 : i32
    %add3A_27 = arith.addi %mul3A_25, %add3A_26 : i32
    %dma_start3A_28 = arith.constant 0 : i32
    %dma_start3A_29 = tpu.memref_slice %arg2[%add3A_27, %dma_start3A_28] : memref<131072x128xf32, #tpu.memory_space<hbm>> -> memref<128x128xf32, #tpu.memory_space<hbm>>
    %dma_start3A_30 = arith.constant 0 : i32
    %dma_start3A_31 = tpu.memref_slice %arg2[%add3A_27, %dma_start3A_30] : memref<131072x128xf32, #tpu.memory_space<hbm>> -> memref<128x128xf32, #tpu.memory_space<hbm>>
    tpu.enqueue_dma source(%dma_start3A_31 : memref<128x128xf32, #tpu.memory_space<hbm>>) target(%arg9 : memref<128x128xf32, #tpu.memory_space<vmem>>) target_semaphore(%arg13 : memref<!tpu.dma_semaphore, #tpu.memory_space<semaphore_mem>>)
    %scan3A = arith.constant 0 : i32
    %scan3A_32 = arith.constant 0 : i32
    %scan3A_33 = arith.constant 8 : i32
    %scan3A_34 = arith.addi %scan3A_32, %scan3A_33 : i32
    %scan3A_35 = arith.constant 1 : i32
    %scan3A_36 = scf.for %scan3A_38 = %scan3A_32 to %scan3A_34 step %scan3A_35 iter_args(%scan3A_39 = %scan3A) -> (i32)  : i32 {
      %mul3A_40 = arith.constant 4 : i32
      %mul3A_41 = arith.muli %scan3A_38, %mul3A_40 : i32
      %add3A_42 = arith.constant 0 : i32
      %add3A_43 = arith.addi %mul3A_41, %add3A_42 : i32
      %mul3A_44 = arith.constant 4096 : i32
      %mul3A_45 = arith.muli %add3A, %mul3A_44 : i32
      %mul3A_46 = arith.constant 128 : i32
      %mul3A_47 = arith.muli %add3A_43, %mul3A_46 : i32
      %add3A_48 = arith.addi %mul3A_45, %mul3A_47 : i32
      %dma_wait3A = arith.constant 0 : i32
      %dma_wait3A_49 = tpu.memref_slice %arg2[%add3A_48, %dma_wait3A] : memref<131072x128xf32, #tpu.memory_space<hbm>> -> memref<128x128xf32, #tpu.memory_space<hbm>>
      %dma_wait3A_50 = arith.constant 0 : i32
      %dma_wait3A_51 = tpu.memref_slice %arg2[%add3A_48, %dma_wait3A_50] : memref<131072x128xf32, #tpu.memory_space<hbm>> -> memref<128x128xf32, #tpu.memory_space<hbm>>
      tpu.wait_dma2 semaphore(%arg10 : memref<!tpu.dma_semaphore, #tpu.memory_space<semaphore_mem>>) src(%dma_wait3A_51 : memref<128x128xf32, #tpu.memory_space<hbm>>) dst(%arg6 : memref<128x128xf32, #tpu.memory_space<vmem>>)
      %add3A_52 = arith.constant 0 : i32
      %add3A_53 = arith.addi %mul3A_41, %add3A_52 : i32
      %dma_start3A_54 = arith.constant 0 : i32
      %dma_start3A_55 = tpu.memref_slice %arg5[%add3A_53, %dma_start3A_54] : memref<32x128xi32, #tpu.memory_space<vmem>> -> memref<1x128xi32, #tpu.memory_space<vmem>>
      %dma_start3A_56 = tpu.memref_squeeze %dma_start3A_55 : memref<1x128xi32, #tpu.memory_space<vmem>> -> memref<128xi32, #tpu.memory_space<vmem>>
      %dma_start3A_57 = arith.constant 0 : i32
      %dma_start3A_58 = arith.constant 0 : i32
      %dma_start3A_59 = tpu.memref_slice %arg4[%dma_start3A_57, %dma_start3A_58] : memref<131072x128xf32, #tpu.memory_space<hbm>> -> memref<131072x128xf32, #tpu.memory_space<hbm>>
      tpu.enqueue_indirect_dma source(%arg6 : memref<128x128xf32, #tpu.memory_space<vmem>>) target(%dma_start3A_59 : memref<131072x128xf32, #tpu.memory_space<hbm>>) offsets(%dma_start3A_56 : memref<128xi32, #tpu.memory_space<vmem>>) semaphore(%arg14 : memref<!tpu.dma_semaphore, #tpu.memory_space<semaphore_mem>>)
      %add3A_60 = arith.constant 1 : i32
      %add3A_61 = arith.addi %mul3A_41, %add3A_60 : i32
      %mul3A_62 = arith.constant 4096 : i32
      %mul3A_63 = arith.muli %add3A, %mul3A_62 : i32
      %mul3A_64 = arith.constant 128 : i32
      %mul3A_65 = arith.muli %add3A_61, %mul3A_64 : i32
      %add3A_66 = arith.addi %mul3A_63, %mul3A_65 : i32
      %dma_wait3A_67 = arith.constant 0 : i32
      %dma_wait3A_68 = tpu.memref_slice %arg2[%add3A_66, %dma_wait3A_67] : memref<131072x128xf32, #tpu.memory_space<hbm>> -> memref<128x128xf32, #tpu.memory_space<hbm>>
      %dma_wait3A_69 = arith.constant 0 : i32
      %dma_wait3A_70 = tpu.memref_slice %arg2[%add3A_66, %dma_wait3A_69] : memref<131072x128xf32, #tpu.memory_space<hbm>> -> memref<128x128xf32, #tpu.memory_space<hbm>>
      tpu.wait_dma2 semaphore(%arg11 : memref<!tpu.dma_semaphore, #tpu.memory_space<semaphore_mem>>) src(%dma_wait3A_70 : memref<128x128xf32, #tpu.memory_space<hbm>>) dst(%arg7 : memref<128x128xf32, #tpu.memory_space<vmem>>)
      %add3A_71 = arith.constant 1 : i32
      %add3A_72 = arith.addi %mul3A_41, %add3A_71 : i32
      %dma_start3A_73 = arith.constant 0 : i32
      %dma_start3A_74 = tpu.memref_slice %arg5[%add3A_72, %dma_start3A_73] : memref<32x128xi32, #tpu.memory_space<vmem>> -> memref<1x128xi32, #tpu.memory_space<vmem>>
      %dma_start3A_75 = tpu.memref_squeeze %dma_start3A_74 : memref<1x128xi32, #tpu.memory_space<vmem>> -> memref<128xi32, #tpu.memory_space<vmem>>
      %dma_start3A_76 = arith.constant 0 : i32
      %dma_start3A_77 = arith.constant 0 : i32
      %dma_start3A_78 = tpu.memref_slice %arg4[%dma_start3A_76, %dma_start3A_77] : memref<131072x128xf32, #tpu.memory_space<hbm>> -> memref<131072x128xf32, #tpu.memory_space<hbm>>
      tpu.enqueue_indirect_dma source(%arg7 : memref<128x128xf32, #tpu.memory_space<vmem>>) target(%dma_start3A_78 : memref<131072x128xf32, #tpu.memory_space<hbm>>) offsets(%dma_start3A_75 : memref<128xi32, #tpu.memory_space<vmem>>) semaphore(%arg15 : memref<!tpu.dma_semaphore, #tpu.memory_space<semaphore_mem>>)
      %add3A_79 = arith.constant 2 : i32
      %add3A_80 = arith.addi %mul3A_41, %add3A_79 : i32
      %mul3A_81 = arith.constant 4096 : i32
      %mul3A_82 = arith.muli %add3A, %mul3A_81 : i32
      %mul3A_83 = arith.constant 128 : i32
      %mul3A_84 = arith.muli %add3A_80, %mul3A_83 : i32
      %add3A_85 = arith.addi %mul3A_82, %mul3A_84 : i32
      %dma_wait3A_86 = arith.constant 0 : i32
      %dma_wait3A_87 = tpu.memref_slice %arg2[%add3A_85, %dma_wait3A_86] : memref<131072x128xf32, #tpu.memory_space<hbm>> -> memref<128x128xf32, #tpu.memory_space<hbm>>
      %dma_wait3A_88 = arith.constant 0 : i32
      %dma_wait3A_89 = tpu.memref_slice %arg2[%add3A_85, %dma_wait3A_88] : memref<131072x128xf32, #tpu.memory_space<hbm>> -> memref<128x128xf32, #tpu.memory_space<hbm>>
      tpu.wait_dma2 semaphore(%arg12 : memref<!tpu.dma_semaphore, #tpu.memory_space<semaphore_mem>>) src(%dma_wait3A_89 : memref<128x128xf32, #tpu.memory_space<hbm>>) dst(%arg8 : memref<128x128xf32, #tpu.memory_space<vmem>>)
      %add3A_90 = arith.constant 2 : i32
      %add3A_91 = arith.addi %mul3A_41, %add3A_90 : i32
      %dma_start3A_92 = arith.constant 0 : i32
      %dma_start3A_93 = tpu.memref_slice %arg5[%add3A_91, %dma_start3A_92] : memref<32x128xi32, #tpu.memory_space<vmem>> -> memref<1x128xi32, #tpu.memory_space<vmem>>
      %dma_start3A_94 = tpu.memref_squeeze %dma_start3A_93 : memref<1x128xi32, #tpu.memory_space<vmem>> -> memref<128xi32, #tpu.memory_space<vmem>>
      %dma_start3A_95 = arith.constant 0 : i32
      %dma_start3A_96 = arith.constant 0 : i32
      %dma_start3A_97 = tpu.memref_slice %arg4[%dma_start3A_95, %dma_start3A_96] : memref<131072x128xf32, #tpu.memory_space<hbm>> -> memref<131072x128xf32, #tpu.memory_space<hbm>>
      tpu.enqueue_indirect_dma source(%arg8 : memref<128x128xf32, #tpu.memory_space<vmem>>) target(%dma_start3A_97 : memref<131072x128xf32, #tpu.memory_space<hbm>>) offsets(%dma_start3A_94 : memref<128xi32, #tpu.memory_space<vmem>>) semaphore(%arg16 : memref<!tpu.dma_semaphore, #tpu.memory_space<semaphore_mem>>)
      %add3A_98 = arith.constant 3 : i32
      %add3A_99 = arith.addi %mul3A_41, %add3A_98 : i32
      %mul3A_100 = arith.constant 4096 : i32
      %mul3A_101 = arith.muli %add3A, %mul3A_100 : i32
      %mul3A_102 = arith.constant 128 : i32
      %mul3A_103 = arith.muli %add3A_99, %mul3A_102 : i32
      %add3A_104 = arith.addi %mul3A_101, %mul3A_103 : i32
      %dma_wait3A_105 = arith.constant 0 : i32
      %dma_wait3A_106 = tpu.memref_slice %arg2[%add3A_104, %dma_wait3A_105] : memref<131072x128xf32, #tpu.memory_space<hbm>> -> memref<128x128xf32, #tpu.memory_space<hbm>>
      %dma_wait3A_107 = arith.constant 0 : i32
      %dma_wait3A_108 = tpu.memref_slice %arg2[%add3A_104, %dma_wait3A_107] : memref<131072x128xf32, #tpu.memory_space<hbm>> -> memref<128x128xf32, #tpu.memory_space<hbm>>
      tpu.wait_dma2 semaphore(%arg13 : memref<!tpu.dma_semaphore, #tpu.memory_space<semaphore_mem>>) src(%dma_wait3A_108 : memref<128x128xf32, #tpu.memory_space<hbm>>) dst(%arg9 : memref<128x128xf32, #tpu.memory_space<vmem>>)
      %add3A_109 = arith.constant 3 : i32
      %add3A_110 = arith.addi %mul3A_41, %add3A_109 : i32
      %dma_start3A_111 = arith.constant 0 : i32
      %dma_start3A_112 = tpu.memref_slice %arg5[%add3A_110, %dma_start3A_111] : memref<32x128xi32, #tpu.memory_space<vmem>> -> memref<1x128xi32, #tpu.memory_space<vmem>>
      %dma_start3A_113 = tpu.memref_squeeze %dma_start3A_112 : memref<1x128xi32, #tpu.memory_space<vmem>> -> memref<128xi32, #tpu.memory_space<vmem>>
      %dma_start3A_114 = arith.constant 0 : i32
      %dma_start3A_115 = arith.constant 0 : i32
      %dma_start3A_116 = tpu.memref_slice %arg4[%dma_start3A_114, %dma_start3A_115] : memref<131072x128xf32, #tpu.memory_space<hbm>> -> memref<131072x128xf32, #tpu.memory_space<hbm>>
      tpu.enqueue_indirect_dma source(%arg9 : memref<128x128xf32, #tpu.memory_space<vmem>>) target(%dma_start3A_116 : memref<131072x128xf32, #tpu.memory_space<hbm>>) offsets(%dma_start3A_113 : memref<128xi32, #tpu.memory_space<vmem>>) semaphore(%arg17 : memref<!tpu.dma_semaphore, #tpu.memory_space<semaphore_mem>>)
      %add3A_117 = arith.constant 0 : i32
      %add3A_118 = arith.addi %mul3A_41, %add3A_117 : i32
      %dma_wait3A_119 = arith.constant 0 : i32
      %dma_wait3A_120 = tpu.memref_slice %arg5[%add3A_118, %dma_wait3A_119] : memref<32x128xi32, #tpu.memory_space<vmem>> -> memref<1x128xi32, #tpu.memory_space<vmem>>
      %dma_wait3A_121 = tpu.memref_squeeze %dma_wait3A_120 : memref<1x128xi32, #tpu.memory_space<vmem>> -> memref<128xi32, #tpu.memory_space<vmem>>
      %dma_wait3A_122 = arith.constant 0 : i32
      %dma_wait3A_123 = arith.constant 0 : i32
      %dma_wait3A_124 = tpu.memref_slice %arg4[%dma_wait3A_122, %dma_wait3A_123] : memref<131072x128xf32, #tpu.memory_space<hbm>> -> memref<131072x128xf32, #tpu.memory_space<hbm>>
      tpu.wait_indirect_dma semaphore(%arg14 : memref<!tpu.dma_semaphore, #tpu.memory_space<semaphore_mem>>) src(%arg6 : memref<128x128xf32, #tpu.memory_space<vmem>>) dst(%dma_wait3A_124 : memref<131072x128xf32, #tpu.memory_space<hbm>>)
      %lt3A = arith.constant 7 : i32
      %lt3A_125 = arith.cmpi slt, %scan3A_38, %lt3A : i32
      %convert_element_type3A = arith.extui %lt3A_125 : i1 to i32
      %cond3A = arith.constant 0 : i32
      %cond3A_126 = arith.cmpi ne, %convert_element_type3A, %cond3A : i32
      scf.if %cond3A_126 {
        %add3A_167 = arith.constant 4 : i32
        %add3A_168 = arith.addi %mul3A_41, %add3A_167 : i32
        %add3A_169 = arith.constant 0 : i32
        %add3A_170 = arith.addi %add3A_168, %add3A_169 : i32
        %mul3A_171 = arith.constant 4096 : i32
        %mul3A_172 = arith.muli %add3A, %mul3A_171 : i32
        %mul3A_173 = arith.constant 128 : i32
        %mul3A_174 = arith.muli %add3A_170, %mul3A_173 : i32
        %add3A_175 = arith.addi %mul3A_172, %mul3A_174 : i32
        %dma_start3A_176 = arith.constant 0 : i32
        %dma_start3A_177 = tpu.memref_slice %arg2[%add3A_175, %dma_start3A_176] : memref<131072x128xf32, #tpu.memory_space<hbm>> -> memref<128x128xf32, #tpu.memory_space<hbm>>
        %dma_start3A_178 = arith.constant 0 : i32
        %dma_start3A_179 = tpu.memref_slice %arg2[%add3A_175, %dma_start3A_178] : memref<131072x128xf32, #tpu.memory_space<hbm>> -> memref<128x128xf32, #tpu.memory_space<hbm>>
        tpu.enqueue_dma source(%dma_start3A_179 : memref<128x128xf32, #tpu.memory_space<hbm>>) target(%arg6 : memref<128x128xf32, #tpu.memory_space<vmem>>) target_semaphore(%arg10 : memref<!tpu.dma_semaphore, #tpu.memory_space<semaphore_mem>>)
      } else {
      }
      %add3A_127 = arith.constant 1 : i32
      %add3A_128 = arith.addi %mul3A_41, %add3A_127 : i32
      %dma_wait3A_129 = arith.constant 0 : i32
      %dma_wait3A_130 = tpu.memref_slice %arg5[%add3A_128, %dma_wait3A_129] : memref<32x128xi32, #tpu.memory_space<vmem>> -> memref<1x128xi32, #tpu.memory_space<vmem>>
      %dma_wait3A_131 = tpu.memref_squeeze %dma_wait3A_130 : memref<1x128xi32, #tpu.memory_space<vmem>> -> memref<128xi32, #tpu.memory_space<vmem>>
      %dma_wait3A_132 = arith.constant 0 : i32
      %dma_wait3A_133 = arith.constant 0 : i32
      %dma_wait3A_134 = tpu.memref_slice %arg4[%dma_wait3A_132, %dma_wait3A_133] : memref<131072x128xf32, #tpu.memory_space<hbm>> -> memref<131072x128xf32, #tpu.memory_space<hbm>>
      tpu.wait_indirect_dma semaphore(%arg15 : memref<!tpu.dma_semaphore, #tpu.memory_space<semaphore_mem>>) src(%arg7 : memref<128x128xf32, #tpu.memory_space<vmem>>) dst(%dma_wait3A_134 : memref<131072x128xf32, #tpu.memory_space<hbm>>)
      %lt3A_135 = arith.constant 7 : i32
      %lt3A_136 = arith.cmpi slt, %scan3A_38, %lt3A_135 : i32
      %convert_element_type3A_137 = arith.extui %lt3A_136 : i1 to i32
      %cond3A_138 = arith.constant 0 : i32
      %cond3A_139 = arith.cmpi ne, %convert_element_type3A_137, %cond3A_138 : i32
      scf.if %cond3A_139 {
        %add3A_167 = arith.constant 4 : i32
        %add3A_168 = arith.addi %mul3A_41, %add3A_167 : i32
        %add3A_169 = arith.constant 1 : i32
        %add3A_170 = arith.addi %add3A_168, %add3A_169 : i32
        %mul3A_171 = arith.constant 4096 : i32
        %mul3A_172 = arith.muli %add3A, %mul3A_171 : i32
        %mul3A_173 = arith.constant 128 : i32
        %mul3A_174 = arith.muli %add3A_170, %mul3A_173 : i32
        %add3A_175 = arith.addi %mul3A_172, %mul3A_174 : i32
        %dma_start3A_176 = arith.constant 0 : i32
        %dma_start3A_177 = tpu.memref_slice %arg2[%add3A_175, %dma_start3A_176] : memref<131072x128xf32, #tpu.memory_space<hbm>> -> memref<128x128xf32, #tpu.memory_space<hbm>>
        %dma_start3A_178 = arith.constant 0 : i32
        %dma_start3A_179 = tpu.memref_slice %arg2[%add3A_175, %dma_start3A_178] : memref<131072x128xf32, #tpu.memory_space<hbm>> -> memref<128x128xf32, #tpu.memory_space<hbm>>
        tpu.enqueue_dma source(%dma_start3A_179 : memref<128x128xf32, #tpu.memory_space<hbm>>) target(%arg7 : memref<128x128xf32, #tpu.memory_space<vmem>>) target_semaphore(%arg11 : memref<!tpu.dma_semaphore, #tpu.memory_space<semaphore_mem>>)
      } else {
      }
      %add3A_140 = arith.constant 2 : i32
      %add3A_141 = arith.addi %mul3A_41, %add3A_140 : i32
      %dma_wait3A_142 = arith.constant 0 : i32
      %dma_wait3A_143 = tpu.memref_slice %arg5[%add3A_141, %dma_wait3A_142] : memref<32x128xi32, #tpu.memory_space<vmem>> -> memref<1x128xi32, #tpu.memory_space<vmem>>
      %dma_wait3A_144 = tpu.memref_squeeze %dma_wait3A_143 : memref<1x128xi32, #tpu.memory_space<vmem>> -> memref<128xi32, #tpu.memory_space<vmem>>
      %dma_wait3A_145 = arith.constant 0 : i32
      %dma_wait3A_146 = arith.constant 0 : i32
      %dma_wait3A_147 = tpu.memref_slice %arg4[%dma_wait3A_145, %dma_wait3A_146] : memref<131072x128xf32, #tpu.memory_space<hbm>> -> memref<131072x128xf32, #tpu.memory_space<hbm>>
      tpu.wait_indirect_dma semaphore(%arg16 : memref<!tpu.dma_semaphore, #tpu.memory_space<semaphore_mem>>) src(%arg8 : memref<128x128xf32, #tpu.memory_space<vmem>>) dst(%dma_wait3A_147 : memref<131072x128xf32, #tpu.memory_space<hbm>>)
      %lt3A_148 = arith.constant 7 : i32
      %lt3A_149 = arith.cmpi slt, %scan3A_38, %lt3A_148 : i32
      %convert_element_type3A_150 = arith.extui %lt3A_149 : i1 to i32
      %cond3A_151 = arith.constant 0 : i32
      %cond3A_152 = arith.cmpi ne, %convert_element_type3A_150, %cond3A_151 : i32
      scf.if %cond3A_152 {
        %add3A_167 = arith.constant 4 : i32
        %add3A_168 = arith.addi %mul3A_41, %add3A_167 : i32
        %add3A_169 = arith.constant 2 : i32
        %add3A_170 = arith.addi %add3A_168, %add3A_169 : i32
        %mul3A_171 = arith.constant 4096 : i32
        %mul3A_172 = arith.muli %add3A, %mul3A_171 : i32
        %mul3A_173 = arith.constant 128 : i32
        %mul3A_174 = arith.muli %add3A_170, %mul3A_173 : i32
        %add3A_175 = arith.addi %mul3A_172, %mul3A_174 : i32
        %dma_start3A_176 = arith.constant 0 : i32
        %dma_start3A_177 = tpu.memref_slice %arg2[%add3A_175, %dma_start3A_176] : memref<131072x128xf32, #tpu.memory_space<hbm>> -> memref<128x128xf32, #tpu.memory_space<hbm>>
        %dma_start3A_178 = arith.constant 0 : i32
        %dma_start3A_179 = tpu.memref_slice %arg2[%add3A_175, %dma_start3A_178] : memref<131072x128xf32, #tpu.memory_space<hbm>> -> memref<128x128xf32, #tpu.memory_space<hbm>>
        tpu.enqueue_dma source(%dma_start3A_179 : memref<128x128xf32, #tpu.memory_space<hbm>>) target(%arg8 : memref<128x128xf32, #tpu.memory_space<vmem>>) target_semaphore(%arg12 : memref<!tpu.dma_semaphore, #tpu.memory_space<semaphore_mem>>)
      } else {
      }
      %add3A_153 = arith.constant 3 : i32
      %add3A_154 = arith.addi %mul3A_41, %add3A_153 : i32
      %dma_wait3A_155 = arith.constant 0 : i32
      %dma_wait3A_156 = tpu.memref_slice %arg5[%add3A_154, %dma_wait3A_155] : memref<32x128xi32, #tpu.memory_space<vmem>> -> memref<1x128xi32, #tpu.memory_space<vmem>>
      %dma_wait3A_157 = tpu.memref_squeeze %dma_wait3A_156 : memref<1x128xi32, #tpu.memory_space<vmem>> -> memref<128xi32, #tpu.memory_space<vmem>>
      %dma_wait3A_158 = arith.constant 0 : i32
      %dma_wait3A_159 = arith.constant 0 : i32
      %dma_wait3A_160 = tpu.memref_slice %arg4[%dma_wait3A_158, %dma_wait3A_159] : memref<131072x128xf32, #tpu.memory_space<hbm>> -> memref<131072x128xf32, #tpu.memory_space<hbm>>
      tpu.wait_indirect_dma semaphore(%arg17 : memref<!tpu.dma_semaphore, #tpu.memory_space<semaphore_mem>>) src(%arg9 : memref<128x128xf32, #tpu.memory_space<vmem>>) dst(%dma_wait3A_160 : memref<131072x128xf32, #tpu.memory_space<hbm>>)
      %lt3A_161 = arith.constant 7 : i32
      %lt3A_162 = arith.cmpi slt, %scan3A_38, %lt3A_161 : i32
      %convert_element_type3A_163 = arith.extui %lt3A_162 : i1 to i32
      %cond3A_164 = arith.constant 0 : i32
      %cond3A_165 = arith.cmpi ne, %convert_element_type3A_163, %cond3A_164 : i32
      scf.if %cond3A_165 {
        %add3A_167 = arith.constant 4 : i32
        %add3A_168 = arith.addi %mul3A_41, %add3A_167 : i32
        %add3A_169 = arith.constant 3 : i32
        %add3A_170 = arith.addi %add3A_168, %add3A_169 : i32
        %mul3A_171 = arith.constant 4096 : i32
        %mul3A_172 = arith.muli %add3A, %mul3A_171 : i32
        %mul3A_173 = arith.constant 128 : i32
        %mul3A_174 = arith.muli %add3A_170, %mul3A_173 : i32
        %add3A_175 = arith.addi %mul3A_172, %mul3A_174 : i32
        %dma_start3A_176 = arith.constant 0 : i32
        %dma_start3A_177 = tpu.memref_slice %arg2[%add3A_175, %dma_start3A_176] : memref<131072x128xf32, #tpu.memory_space<hbm>> -> memref<128x128xf32, #tpu.memory_space<hbm>>
        %dma_start3A_178 = arith.constant 0 : i32
        %dma_start3A_179 = tpu.memref_slice %arg2[%add3A_175, %dma_start3A_178] : memref<131072x128xf32, #tpu.memory_space<hbm>> -> memref<128x128xf32, #tpu.memory_space<hbm>>
        tpu.enqueue_dma source(%dma_start3A_179 : memref<128x128xf32, #tpu.memory_space<hbm>>) target(%arg9 : memref<128x128xf32, #tpu.memory_space<vmem>>) target_semaphore(%arg13 : memref<!tpu.dma_semaphore, #tpu.memory_space<semaphore_mem>>)
      } else {
      }
      %scan3A_166 = arith.constant 0 : i32
      scf.yield %scan3A_166 : i32
    }
    %scan3A_37 = arith.constant 8 : i32
    return
  }
}

module attributes {stable_mosaic.version = 14 : i64} {
  func.func @_rank_body(%arg0: memref<1x4096xf32, #tpu.memory_space<vmem>>, %arg1: memref<32x32x128xi32, #tpu.memory_space<vmem>>) attributes {dimension_semantics = [], scalar_prefetch = 0 : i64, scratch_operands = 0 : i64, tpu.core_type = #tpu.core_type<tc>} {
    %get3A = arith.constant 0 : index
    %get3A_0 = arith.constant 0 : index
    %get3A_1 = vector.load %arg0[%get3A, %get3A_0] : memref<1x4096xf32, #tpu.memory_space<vmem>>, vector<1x4096xf32>
    %transpose3A = tpu.transpose %get3A_1, [1, 0] : vector<1x4096xf32> -> vector<4096x1xf32>
    %broadcast_in_dim3A = arith.constant 1.000000e+00 : bf16
    %broadcast_in_dim3A_2 = vector.broadcast %broadcast_in_dim3A : bf16 to vector<1x512xbf16>
    %iota3A = tpu.iota {dimensions = array<i32: 0>} : vector<512x512xi32>
    %iota3A_3 = tpu.iota {dimensions = array<i32: 1>} : vector<512x512xi32>
    %lt3A = arith.cmpi slt, %iota3A, %iota3A_3 : vector<512x512xi32>
    %slice3A = vector.extract_strided_slice %get3A_1 {offsets = [0, 0], sizes = [1, 512], strides = [1, 1]} : vector<1x4096xf32> to vector<1x512xf32>
    %broadcast_in_dim3A_4 = arith.constant 0.000000e+00 : f32
    %broadcast_in_dim3A_5 = vector.broadcast %broadcast_in_dim3A_4 : f32 to vector<1x512xf32>
    %slice3A_6 = vector.extract_strided_slice %transpose3A {offsets = [0, 0], sizes = [512, 1], strides = [1, 1]} : vector<4096x1xf32> to vector<512x1xf32>
    %lt3A_7 = vector.broadcast %slice3A_6 : vector<512x1xf32> to vector<512x512xf32>
    %lt3A_8 = vector.broadcast %slice3A : vector<1x512xf32> to vector<512x512xf32>
    %lt3A_9 = arith.cmpf olt, %lt3A_7, %lt3A_8 : vector<512x512xf32>
    %eq3A = vector.broadcast %slice3A_6 : vector<512x1xf32> to vector<512x512xf32>
    %eq3A_10 = vector.broadcast %slice3A : vector<1x512xf32> to vector<512x512xf32>
    %eq3A_11 = arith.cmpf oeq, %eq3A, %eq3A_10 : vector<512x512xf32>
    %and3A = arith.andi %eq3A_11, %lt3A : vector<512x512xi1>
    %or3A = arith.ori %lt3A_9, %and3A : vector<512x512xi1>
    %convert_element_type3A = arith.extui %or3A : vector<512x512xi1> to vector<512x512xi32>
    %convert_element_type3A_12 = arith.sitofp %convert_element_type3A : vector<512x512xi32> to vector<512x512xf32>
    %convert_element_type3A_13 = arith.truncf %convert_element_type3A_12 : vector<512x512xf32> to vector<512x512xbf16>
    %dot_general3A = arith.constant dense<0.000000e+00> : vector<1x512xf32>
    %dot_general3A_14 = tpu.matmul %broadcast_in_dim3A_2, %convert_element_type3A_13, %dot_general3A {dimension_numbers = #tpu.dot_dimension_numbers<[1], [0], [0], [1], [0, 0, 1, 1], [], []>, transpose_lhs_hint = false} : vector<1x512xbf16>, vector<512x512xbf16>, vector<1x512xf32> -> vector<1x512xf32>
    %add3A = arith.addf %broadcast_in_dim3A_5, %dot_general3A_14 : vector<1x512xf32>
    %slice3A_15 = vector.extract_strided_slice %transpose3A {offsets = [512, 0], sizes = [512, 1], strides = [1, 1]} : vector<4096x1xf32> to vector<512x1xf32>
    %lt3A_16 = vector.broadcast %slice3A_15 : vector<512x1xf32> to vector<512x512xf32>
    %lt3A_17 = vector.broadcast %slice3A : vector<1x512xf32> to vector<512x512xf32>
    %lt3A_18 = arith.cmpf olt, %lt3A_16, %lt3A_17 : vector<512x512xf32>
    %convert_element_type3A_19 = arith.extui %lt3A_18 : vector<512x512xi1> to vector<512x512xi32>
    %convert_element_type3A_20 = arith.sitofp %convert_element_type3A_19 : vector<512x512xi32> to vector<512x512xf32>
    %convert_element_type3A_21 = arith.truncf %convert_element_type3A_20 : vector<512x512xf32> to vector<512x512xbf16>
    %dot_general3A_22 = arith.constant dense<0.000000e+00> : vector<1x512xf32>
    %dot_general3A_23 = tpu.matmul %broadcast_in_dim3A_2, %convert_element_type3A_21, %dot_general3A_22 {dimension_numbers = #tpu.dot_dimension_numbers<[1], [0], [0], [1], [0, 0, 1, 1], [], []>, transpose_lhs_hint = false} : vector<1x512xbf16>, vector<512x512xbf16>, vector<1x512xf32> -> vector<1x512xf32>
    %add3A_24 = arith.addf %add3A, %dot_general3A_23 : vector<1x512xf32>
    %slice3A_25 = vector.extract_strided_slice %transpose3A {offsets = [1024, 0], sizes = [512, 1], strides = [1, 1]} : vector<4096x1xf32> to vector<512x1xf32>
    %lt3A_26 = vector.broadcast %slice3A_25 : vector<512x1xf32> to vector<512x512xf32>
    %lt3A_27 = vector.broadcast %slice3A : vector<1x512xf32> to vector<512x512xf32>
    %lt3A_28 = arith.cmpf olt, %lt3A_26, %lt3A_27 : vector<512x512xf32>
    %convert_element_type3A_29 = arith.extui %lt3A_28 : vector<512x512xi1> to vector<512x512xi32>
    %convert_element_type3A_30 = arith.sitofp %convert_element_type3A_29 : vector<512x512xi32> to vector<512x512xf32>
    %convert_element_type3A_31 = arith.truncf %convert_element_type3A_30 : vector<512x512xf32> to vector<512x512xbf16>
    %dot_general3A_32 = arith.constant dense<0.000000e+00> : vector<1x512xf32>
    %dot_general3A_33 = tpu.matmul %broadcast_in_dim3A_2, %convert_element_type3A_31, %dot_general3A_32 {dimension_numbers = #tpu.dot_dimension_numbers<[1], [0], [0], [1], [0, 0, 1, 1], [], []>, transpose_lhs_hint = false} : vector<1x512xbf16>, vector<512x512xbf16>, vector<1x512xf32> -> vector<1x512xf32>
    %add3A_34 = arith.addf %add3A_24, %dot_general3A_33 : vector<1x512xf32>
    %slice3A_35 = vector.extract_strided_slice %transpose3A {offsets = [1536, 0], sizes = [512, 1], strides = [1, 1]} : vector<4096x1xf32> to vector<512x1xf32>
    %lt3A_36 = vector.broadcast %slice3A_35 : vector<512x1xf32> to vector<512x512xf32>
    %lt3A_37 = vector.broadcast %slice3A : vector<1x512xf32> to vector<512x512xf32>
    %lt3A_38 = arith.cmpf olt, %lt3A_36, %lt3A_37 : vector<512x512xf32>
    %convert_element_type3A_39 = arith.extui %lt3A_38 : vector<512x512xi1> to vector<512x512xi32>
    %convert_element_type3A_40 = arith.sitofp %convert_element_type3A_39 : vector<512x512xi32> to vector<512x512xf32>
    %convert_element_type3A_41 = arith.truncf %convert_element_type3A_40 : vector<512x512xf32> to vector<512x512xbf16>
    %dot_general3A_42 = arith.constant dense<0.000000e+00> : vector<1x512xf32>
    %dot_general3A_43 = tpu.matmul %broadcast_in_dim3A_2, %convert_element_type3A_41, %dot_general3A_42 {dimension_numbers = #tpu.dot_dimension_numbers<[1], [0], [0], [1], [0, 0, 1, 1], [], []>, transpose_lhs_hint = false} : vector<1x512xbf16>, vector<512x512xbf16>, vector<1x512xf32> -> vector<1x512xf32>
    %add3A_44 = arith.addf %add3A_34, %dot_general3A_43 : vector<1x512xf32>
    %slice3A_45 = vector.extract_strided_slice %transpose3A {offsets = [2048, 0], sizes = [512, 1], strides = [1, 1]} : vector<4096x1xf32> to vector<512x1xf32>
    %lt3A_46 = vector.broadcast %slice3A_45 : vector<512x1xf32> to vector<512x512xf32>
    %lt3A_47 = vector.broadcast %slice3A : vector<1x512xf32> to vector<512x512xf32>
    %lt3A_48 = arith.cmpf olt, %lt3A_46, %lt3A_47 : vector<512x512xf32>
    %convert_element_type3A_49 = arith.extui %lt3A_48 : vector<512x512xi1> to vector<512x512xi32>
    %convert_element_type3A_50 = arith.sitofp %convert_element_type3A_49 : vector<512x512xi32> to vector<512x512xf32>
    %convert_element_type3A_51 = arith.truncf %convert_element_type3A_50 : vector<512x512xf32> to vector<512x512xbf16>
    %dot_general3A_52 = arith.constant dense<0.000000e+00> : vector<1x512xf32>
    %dot_general3A_53 = tpu.matmul %broadcast_in_dim3A_2, %convert_element_type3A_51, %dot_general3A_52 {dimension_numbers = #tpu.dot_dimension_numbers<[1], [0], [0], [1], [0, 0, 1, 1], [], []>, transpose_lhs_hint = false} : vector<1x512xbf16>, vector<512x512xbf16>, vector<1x512xf32> -> vector<1x512xf32>
    %add3A_54 = arith.addf %add3A_44, %dot_general3A_53 : vector<1x512xf32>
    %slice3A_55 = vector.extract_strided_slice %transpose3A {offsets = [2560, 0], sizes = [512, 1], strides = [1, 1]} : vector<4096x1xf32> to vector<512x1xf32>
    %lt3A_56 = vector.broadcast %slice3A_55 : vector<512x1xf32> to vector<512x512xf32>
    %lt3A_57 = vector.broadcast %slice3A : vector<1x512xf32> to vector<512x512xf32>
    %lt3A_58 = arith.cmpf olt, %lt3A_56, %lt3A_57 : vector<512x512xf32>
    %convert_element_type3A_59 = arith.extui %lt3A_58 : vector<512x512xi1> to vector<512x512xi32>
    %convert_element_type3A_60 = arith.sitofp %convert_element_type3A_59 : vector<512x512xi32> to vector<512x512xf32>
    %convert_element_type3A_61 = arith.truncf %convert_element_type3A_60 : vector<512x512xf32> to vector<512x512xbf16>
    %dot_general3A_62 = arith.constant dense<0.000000e+00> : vector<1x512xf32>
    %dot_general3A_63 = tpu.matmul %broadcast_in_dim3A_2, %convert_element_type3A_61, %dot_general3A_62 {dimension_numbers = #tpu.dot_dimension_numbers<[1], [0], [0], [1], [0, 0, 1, 1], [], []>, transpose_lhs_hint = false} : vector<1x512xbf16>, vector<512x512xbf16>, vector<1x512xf32> -> vector<1x512xf32>
    %add3A_64 = arith.addf %add3A_54, %dot_general3A_63 : vector<1x512xf32>
    %slice3A_65 = vector.extract_strided_slice %transpose3A {offsets = [3072, 0], sizes = [512, 1], strides = [1, 1]} : vector<4096x1xf32> to vector<512x1xf32>
    %lt3A_66 = vector.broadcast %slice3A_65 : vector<512x1xf32> to vector<512x512xf32>
    %lt3A_67 = vector.broadcast %slice3A : vector<1x512xf32> to vector<512x512xf32>
    %lt3A_68 = arith.cmpf olt, %lt3A_66, %lt3A_67 : vector<512x512xf32>
    %convert_element_type3A_69 = arith.extui %lt3A_68 : vector<512x512xi1> to vector<512x512xi32>
    %convert_element_type3A_70 = arith.sitofp %convert_element_type3A_69 : vector<512x512xi32> to vector<512x512xf32>
    %convert_element_type3A_71 = arith.truncf %convert_element_type3A_70 : vector<512x512xf32> to vector<512x512xbf16>
    %dot_general3A_72 = arith.constant dense<0.000000e+00> : vector<1x512xf32>
    %dot_general3A_73 = tpu.matmul %broadcast_in_dim3A_2, %convert_element_type3A_71, %dot_general3A_72 {dimension_numbers = #tpu.dot_dimension_numbers<[1], [0], [0], [1], [0, 0, 1, 1], [], []>, transpose_lhs_hint = false} : vector<1x512xbf16>, vector<512x512xbf16>, vector<1x512xf32> -> vector<1x512xf32>
    %add3A_74 = arith.addf %add3A_64, %dot_general3A_73 : vector<1x512xf32>
    %slice3A_75 = vector.extract_strided_slice %transpose3A {offsets = [3584, 0], sizes = [512, 1], strides = [1, 1]} : vector<4096x1xf32> to vector<512x1xf32>
    %lt3A_76 = vector.broadcast %slice3A_75 : vector<512x1xf32> to vector<512x512xf32>
    %lt3A_77 = vector.broadcast %slice3A : vector<1x512xf32> to vector<512x512xf32>
    %lt3A_78 = arith.cmpf olt, %lt3A_76, %lt3A_77 : vector<512x512xf32>
    %convert_element_type3A_79 = arith.extui %lt3A_78 : vector<512x512xi1> to vector<512x512xi32>
    %convert_element_type3A_80 = arith.sitofp %convert_element_type3A_79 : vector<512x512xi32> to vector<512x512xf32>
    %convert_element_type3A_81 = arith.truncf %convert_element_type3A_80 : vector<512x512xf32> to vector<512x512xbf16>
    %dot_general3A_82 = arith.constant dense<0.000000e+00> : vector<1x512xf32>
    %dot_general3A_83 = tpu.matmul %broadcast_in_dim3A_2, %convert_element_type3A_81, %dot_general3A_82 {dimension_numbers = #tpu.dot_dimension_numbers<[1], [0], [0], [1], [0, 0, 1, 1], [], []>, transpose_lhs_hint = false} : vector<1x512xbf16>, vector<512x512xbf16>, vector<1x512xf32> -> vector<1x512xf32>
    %add3A_84 = arith.addf %add3A_74, %dot_general3A_83 : vector<1x512xf32>
    %slice3A_85 = vector.extract_strided_slice %get3A_1 {offsets = [0, 512], sizes = [1, 512], strides = [1, 1]} : vector<1x4096xf32> to vector<1x512xf32>
    %broadcast_in_dim3A_86 = arith.constant 0.000000e+00 : f32
    %broadcast_in_dim3A_87 = vector.broadcast %broadcast_in_dim3A_86 : f32 to vector<1x512xf32>
    %slice3A_88 = vector.extract_strided_slice %transpose3A {offsets = [0, 0], sizes = [512, 1], strides = [1, 1]} : vector<4096x1xf32> to vector<512x1xf32>
    %le3A = vector.broadcast %slice3A_88 : vector<512x1xf32> to vector<512x512xf32>
    %le3A_89 = vector.broadcast %slice3A_85 : vector<1x512xf32> to vector<512x512xf32>
    %le3A_90 = arith.cmpf ole, %le3A, %le3A_89 : vector<512x512xf32>
    %convert_element_type3A_91 = arith.extui %le3A_90 : vector<512x512xi1> to vector<512x512xi32>
    %convert_element_type3A_92 = arith.sitofp %convert_element_type3A_91 : vector<512x512xi32> to vector<512x512xf32>
    %convert_element_type3A_93 = arith.truncf %convert_element_type3A_92 : vector<512x512xf32> to vector<512x512xbf16>
    %dot_general3A_94 = arith.constant dense<0.000000e+00> : vector<1x512xf32>
    %dot_general3A_95 = tpu.matmul %broadcast_in_dim3A_2, %convert_element_type3A_93, %dot_general3A_94 {dimension_numbers = #tpu.dot_dimension_numbers<[1], [0], [0], [1], [0, 0, 1, 1], [], []>, transpose_lhs_hint = false} : vector<1x512xbf16>, vector<512x512xbf16>, vector<1x512xf32> -> vector<1x512xf32>
    %add3A_96 = arith.addf %broadcast_in_dim3A_87, %dot_general3A_95 : vector<1x512xf32>
    %slice3A_97 = vector.extract_strided_slice %transpose3A {offsets = [512, 0], sizes = [512, 1], strides = [1, 1]} : vector<4096x1xf32> to vector<512x1xf32>
    %lt3A_98 = vector.broadcast %slice3A_97 : vector<512x1xf32> to vector<512x512xf32>
    %lt3A_99 = vector.broadcast %slice3A_85 : vector<1x512xf32> to vector<512x512xf32>
    %lt3A_100 = arith.cmpf olt, %lt3A_98, %lt3A_99 : vector<512x512xf32>
    %eq3A_101 = vector.broadcast %slice3A_97 : vector<512x1xf32> to vector<512x512xf32>
    %eq3A_102 = vector.broadcast %slice3A_85 : vector<1x512xf32> to vector<512x512xf32>
    %eq3A_103 = arith.cmpf oeq, %eq3A_101, %eq3A_102 : vector<512x512xf32>
    %and3A_104 = arith.andi %eq3A_103, %lt3A : vector<512x512xi1>
    %or3A_105 = arith.ori %lt3A_100, %and3A_104 : vector<512x512xi1>
    %convert_element_type3A_106 = arith.extui %or3A_105 : vector<512x512xi1> to vector<512x512xi32>
    %convert_element_type3A_107 = arith.sitofp %convert_element_type3A_106 : vector<512x512xi32> to vector<512x512xf32>
    %convert_element_type3A_108 = arith.truncf %convert_element_type3A_107 : vector<512x512xf32> to vector<512x512xbf16>
    %dot_general3A_109 = arith.constant dense<0.000000e+00> : vector<1x512xf32>
    %dot_general3A_110 = tpu.matmul %broadcast_in_dim3A_2, %convert_element_type3A_108, %dot_general3A_109 {dimension_numbers = #tpu.dot_dimension_numbers<[1], [0], [0], [1], [0, 0, 1, 1], [], []>, transpose_lhs_hint = false} : vector<1x512xbf16>, vector<512x512xbf16>, vector<1x512xf32> -> vector<1x512xf32>
    %add3A_111 = arith.addf %add3A_96, %dot_general3A_110 : vector<1x512xf32>
    %slice3A_112 = vector.extract_strided_slice %transpose3A {offsets = [1024, 0], sizes = [512, 1], strides = [1, 1]} : vector<4096x1xf32> to vector<512x1xf32>
    %lt3A_113 = vector.broadcast %slice3A_112 : vector<512x1xf32> to vector<512x512xf32>
    %lt3A_114 = vector.broadcast %slice3A_85 : vector<1x512xf32> to vector<512x512xf32>
    %lt3A_115 = arith.cmpf olt, %lt3A_113, %lt3A_114 : vector<512x512xf32>
    %convert_element_type3A_116 = arith.extui %lt3A_115 : vector<512x512xi1> to vector<512x512xi32>
    %convert_element_type3A_117 = arith.sitofp %convert_element_type3A_116 : vector<512x512xi32> to vector<512x512xf32>
    %convert_element_type3A_118 = arith.truncf %convert_element_type3A_117 : vector<512x512xf32> to vector<512x512xbf16>
    %dot_general3A_119 = arith.constant dense<0.000000e+00> : vector<1x512xf32>
    %dot_general3A_120 = tpu.matmul %broadcast_in_dim3A_2, %convert_element_type3A_118, %dot_general3A_119 {dimension_numbers = #tpu.dot_dimension_numbers<[1], [0], [0], [1], [0, 0, 1, 1], [], []>, transpose_lhs_hint = false} : vector<1x512xbf16>, vector<512x512xbf16>, vector<1x512xf32> -> vector<1x512xf32>
    %add3A_121 = arith.addf %add3A_111, %dot_general3A_120 : vector<1x512xf32>
    %slice3A_122 = vector.extract_strided_slice %transpose3A {offsets = [1536, 0], sizes = [512, 1], strides = [1, 1]} : vector<4096x1xf32> to vector<512x1xf32>
    %lt3A_123 = vector.broadcast %slice3A_122 : vector<512x1xf32> to vector<512x512xf32>
    %lt3A_124 = vector.broadcast %slice3A_85 : vector<1x512xf32> to vector<512x512xf32>
    %lt3A_125 = arith.cmpf olt, %lt3A_123, %lt3A_124 : vector<512x512xf32>
    %convert_element_type3A_126 = arith.extui %lt3A_125 : vector<512x512xi1> to vector<512x512xi32>
    %convert_element_type3A_127 = arith.sitofp %convert_element_type3A_126 : vector<512x512xi32> to vector<512x512xf32>
    %convert_element_type3A_128 = arith.truncf %convert_element_type3A_127 : vector<512x512xf32> to vector<512x512xbf16>
    %dot_general3A_129 = arith.constant dense<0.000000e+00> : vector<1x512xf32>
    %dot_general3A_130 = tpu.matmul %broadcast_in_dim3A_2, %convert_element_type3A_128, %dot_general3A_129 {dimension_numbers = #tpu.dot_dimension_numbers<[1], [0], [0], [1], [0, 0, 1, 1], [], []>, transpose_lhs_hint = false} : vector<1x512xbf16>, vector<512x512xbf16>, vector<1x512xf32> -> vector<1x512xf32>
    %add3A_131 = arith.addf %add3A_121, %dot_general3A_130 : vector<1x512xf32>
    %slice3A_132 = vector.extract_strided_slice %transpose3A {offsets = [2048, 0], sizes = [512, 1], strides = [1, 1]} : vector<4096x1xf32> to vector<512x1xf32>
    %lt3A_133 = vector.broadcast %slice3A_132 : vector<512x1xf32> to vector<512x512xf32>
    %lt3A_134 = vector.broadcast %slice3A_85 : vector<1x512xf32> to vector<512x512xf32>
    %lt3A_135 = arith.cmpf olt, %lt3A_133, %lt3A_134 : vector<512x512xf32>
    %convert_element_type3A_136 = arith.extui %lt3A_135 : vector<512x512xi1> to vector<512x512xi32>
    %convert_element_type3A_137 = arith.sitofp %convert_element_type3A_136 : vector<512x512xi32> to vector<512x512xf32>
    %convert_element_type3A_138 = arith.truncf %convert_element_type3A_137 : vector<512x512xf32> to vector<512x512xbf16>
    %dot_general3A_139 = arith.constant dense<0.000000e+00> : vector<1x512xf32>
    %dot_general3A_140 = tpu.matmul %broadcast_in_dim3A_2, %convert_element_type3A_138, %dot_general3A_139 {dimension_numbers = #tpu.dot_dimension_numbers<[1], [0], [0], [1], [0, 0, 1, 1], [], []>, transpose_lhs_hint = false} : vector<1x512xbf16>, vector<512x512xbf16>, vector<1x512xf32> -> vector<1x512xf32>
    %add3A_141 = arith.addf %add3A_131, %dot_general3A_140 : vector<1x512xf32>
    %slice3A_142 = vector.extract_strided_slice %transpose3A {offsets = [2560, 0], sizes = [512, 1], strides = [1, 1]} : vector<4096x1xf32> to vector<512x1xf32>
    %lt3A_143 = vector.broadcast %slice3A_142 : vector<512x1xf32> to vector<512x512xf32>
    %lt3A_144 = vector.broadcast %slice3A_85 : vector<1x512xf32> to vector<512x512xf32>
    %lt3A_145 = arith.cmpf olt, %lt3A_143, %lt3A_144 : vector<512x512xf32>
    %convert_element_type3A_146 = arith.extui %lt3A_145 : vector<512x512xi1> to vector<512x512xi32>
    %convert_element_type3A_147 = arith.sitofp %convert_element_type3A_146 : vector<512x512xi32> to vector<512x512xf32>
    %convert_element_type3A_148 = arith.truncf %convert_element_type3A_147 : vector<512x512xf32> to vector<512x512xbf16>
    %dot_general3A_149 = arith.constant dense<0.000000e+00> : vector<1x512xf32>
    %dot_general3A_150 = tpu.matmul %broadcast_in_dim3A_2, %convert_element_type3A_148, %dot_general3A_149 {dimension_numbers = #tpu.dot_dimension_numbers<[1], [0], [0], [1], [0, 0, 1, 1], [], []>, transpose_lhs_hint = false} : vector<1x512xbf16>, vector<512x512xbf16>, vector<1x512xf32> -> vector<1x512xf32>
    %add3A_151 = arith.addf %add3A_141, %dot_general3A_150 : vector<1x512xf32>
    %slice3A_152 = vector.extract_strided_slice %transpose3A {offsets = [3072, 0], sizes = [512, 1], strides = [1, 1]} : vector<4096x1xf32> to vector<512x1xf32>
    %lt3A_153 = vector.broadcast %slice3A_152 : vector<512x1xf32> to vector<512x512xf32>
    %lt3A_154 = vector.broadcast %slice3A_85 : vector<1x512xf32> to vector<512x512xf32>
    %lt3A_155 = arith.cmpf olt, %lt3A_153, %lt3A_154 : vector<512x512xf32>
    %convert_element_type3A_156 = arith.extui %lt3A_155 : vector<512x512xi1> to vector<512x512xi32>
    %convert_element_type3A_157 = arith.sitofp %convert_element_type3A_156 : vector<512x512xi32> to vector<512x512xf32>
    %convert_element_type3A_158 = arith.truncf %convert_element_type3A_157 : vector<512x512xf32> to vector<512x512xbf16>
    %dot_general3A_159 = arith.constant dense<0.000000e+00> : vector<1x512xf32>
    %dot_general3A_160 = tpu.matmul %broadcast_in_dim3A_2, %convert_element_type3A_158, %dot_general3A_159 {dimension_numbers = #tpu.dot_dimension_numbers<[1], [0], [0], [1], [0, 0, 1, 1], [], []>, transpose_lhs_hint = false} : vector<1x512xbf16>, vector<512x512xbf16>, vector<1x512xf32> -> vector<1x512xf32>
    %add3A_161 = arith.addf %add3A_151, %dot_general3A_160 : vector<1x512xf32>
    %slice3A_162 = vector.extract_strided_slice %transpose3A {offsets = [3584, 0], sizes = [512, 1], strides = [1, 1]} : vector<4096x1xf32> to vector<512x1xf32>
    %lt3A_163 = vector.broadcast %slice3A_162 : vector<512x1xf32> to vector<512x512xf32>
    %lt3A_164 = vector.broadcast %slice3A_85 : vector<1x512xf32> to vector<512x512xf32>
    %lt3A_165 = arith.cmpf olt, %lt3A_163, %lt3A_164 : vector<512x512xf32>
    %convert_element_type3A_166 = arith.extui %lt3A_165 : vector<512x512xi1> to vector<512x512xi32>
    %convert_element_type3A_167 = arith.sitofp %convert_element_type3A_166 : vector<512x512xi32> to vector<512x512xf32>
    %convert_element_type3A_168 = arith.truncf %convert_element_type3A_167 : vector<512x512xf32> to vector<512x512xbf16>
    %dot_general3A_169 = arith.constant dense<0.000000e+00> : vector<1x512xf32>
    %dot_general3A_170 = tpu.matmul %broadcast_in_dim3A_2, %convert_element_type3A_168, %dot_general3A_169 {dimension_numbers = #tpu.dot_dimension_numbers<[1], [0], [0], [1], [0, 0, 1, 1], [], []>, transpose_lhs_hint = false} : vector<1x512xbf16>, vector<512x512xbf16>, vector<1x512xf32> -> vector<1x512xf32>
    %add3A_171 = arith.addf %add3A_161, %dot_general3A_170 : vector<1x512xf32>
    %slice3A_172 = vector.extract_strided_slice %get3A_1 {offsets = [0, 1024], sizes = [1, 512], strides = [1, 1]} : vector<1x4096xf32> to vector<1x512xf32>
    %broadcast_in_dim3A_173 = arith.constant 0.000000e+00 : f32
    %broadcast_in_dim3A_174 = vector.broadcast %broadcast_in_dim3A_173 : f32 to vector<1x512xf32>
    %slice3A_175 = vector.extract_strided_slice %transpose3A {offsets = [0, 0], sizes = [512, 1], strides = [1, 1]} : vector<4096x1xf32> to vector<512x1xf32>
    %le3A_176 = vector.broadcast %slice3A_175 : vector<512x1xf32> to vector<512x512xf32>
    %le3A_177 = vector.broadcast %slice3A_172 : vector<1x512xf32> to vector<512x512xf32>
    %le3A_178 = arith.cmpf ole, %le3A_176, %le3A_177 : vector<512x512xf32>
    %convert_element_type3A_179 = arith.extui %le3A_178 : vector<512x512xi1> to vector<512x512xi32>
    %convert_element_type3A_180 = arith.sitofp %convert_element_type3A_179 : vector<512x512xi32> to vector<512x512xf32>
    %convert_element_type3A_181 = arith.truncf %convert_element_type3A_180 : vector<512x512xf32> to vector<512x512xbf16>
    %dot_general3A_182 = arith.constant dense<0.000000e+00> : vector<1x512xf32>
    %dot_general3A_183 = tpu.matmul %broadcast_in_dim3A_2, %convert_element_type3A_181, %dot_general3A_182 {dimension_numbers = #tpu.dot_dimension_numbers<[1], [0], [0], [1], [0, 0, 1, 1], [], []>, transpose_lhs_hint = false} : vector<1x512xbf16>, vector<512x512xbf16>, vector<1x512xf32> -> vector<1x512xf32>
    %add3A_184 = arith.addf %broadcast_in_dim3A_174, %dot_general3A_183 : vector<1x512xf32>
    %slice3A_185 = vector.extract_strided_slice %transpose3A {offsets = [512, 0], sizes = [512, 1], strides = [1, 1]} : vector<4096x1xf32> to vector<512x1xf32>
    %le3A_186 = vector.broadcast %slice3A_185 : vector<512x1xf32> to vector<512x512xf32>
    %le3A_187 = vector.broadcast %slice3A_172 : vector<1x512xf32> to vector<512x512xf32>
    %le3A_188 = arith.cmpf ole, %le3A_186, %le3A_187 : vector<512x512xf32>
    %convert_element_type3A_189 = arith.extui %le3A_188 : vector<512x512xi1> to vector<512x512xi32>
    %convert_element_type3A_190 = arith.sitofp %convert_element_type3A_189 : vector<512x512xi32> to vector<512x512xf32>
    %convert_element_type3A_191 = arith.truncf %convert_element_type3A_190 : vector<512x512xf32> to vector<512x512xbf16>
    %dot_general3A_192 = arith.constant dense<0.000000e+00> : vector<1x512xf32>
    %dot_general3A_193 = tpu.matmul %broadcast_in_dim3A_2, %convert_element_type3A_191, %dot_general3A_192 {dimension_numbers = #tpu.dot_dimension_numbers<[1], [0], [0], [1], [0, 0, 1, 1], [], []>, transpose_lhs_hint = false} : vector<1x512xbf16>, vector<512x512xbf16>, vector<1x512xf32> -> vector<1x512xf32>
    %add3A_194 = arith.addf %add3A_184, %dot_general3A_193 : vector<1x512xf32>
    %slice3A_195 = vector.extract_strided_slice %transpose3A {offsets = [1024, 0], sizes = [512, 1], strides = [1, 1]} : vector<4096x1xf32> to vector<512x1xf32>
    %lt3A_196 = vector.broadcast %slice3A_195 : vector<512x1xf32> to vector<512x512xf32>
    %lt3A_197 = vector.broadcast %slice3A_172 : vector<1x512xf32> to vector<512x512xf32>
    %lt3A_198 = arith.cmpf olt, %lt3A_196, %lt3A_197 : vector<512x512xf32>
    %eq3A_199 = vector.broadcast %slice3A_195 : vector<512x1xf32> to vector<512x512xf32>
    %eq3A_200 = vector.broadcast %slice3A_172 : vector<1x512xf32> to vector<512x512xf32>
    %eq3A_201 = arith.cmpf oeq, %eq3A_199, %eq3A_200 : vector<512x512xf32>
    %and3A_202 = arith.andi %eq3A_201, %lt3A : vector<512x512xi1>
    %or3A_203 = arith.ori %lt3A_198, %and3A_202 : vector<512x512xi1>
    %convert_element_type3A_204 = arith.extui %or3A_203 : vector<512x512xi1> to vector<512x512xi32>
    %convert_element_type3A_205 = arith.sitofp %convert_element_type3A_204 : vector<512x512xi32> to vector<512x512xf32>
    %convert_element_type3A_206 = arith.truncf %convert_element_type3A_205 : vector<512x512xf32> to vector<512x512xbf16>
    %dot_general3A_207 = arith.constant dense<0.000000e+00> : vector<1x512xf32>
    %dot_general3A_208 = tpu.matmul %broadcast_in_dim3A_2, %convert_element_type3A_206, %dot_general3A_207 {dimension_numbers = #tpu.dot_dimension_numbers<[1], [0], [0], [1], [0, 0, 1, 1], [], []>, transpose_lhs_hint = false} : vector<1x512xbf16>, vector<512x512xbf16>, vector<1x512xf32> -> vector<1x512xf32>
    %add3A_209 = arith.addf %add3A_194, %dot_general3A_208 : vector<1x512xf32>
    %slice3A_210 = vector.extract_strided_slice %transpose3A {offsets = [1536, 0], sizes = [512, 1], strides = [1, 1]} : vector<4096x1xf32> to vector<512x1xf32>
    %lt3A_211 = vector.broadcast %slice3A_210 : vector<512x1xf32> to vector<512x512xf32>
    %lt3A_212 = vector.broadcast %slice3A_172 : vector<1x512xf32> to vector<512x512xf32>
    %lt3A_213 = arith.cmpf olt, %lt3A_211, %lt3A_212 : vector<512x512xf32>
    %convert_element_type3A_214 = arith.extui %lt3A_213 : vector<512x512xi1> to vector<512x512xi32>
    %convert_element_type3A_215 = arith.sitofp %convert_element_type3A_214 : vector<512x512xi32> to vector<512x512xf32>
    %convert_element_type3A_216 = arith.truncf %convert_element_type3A_215 : vector<512x512xf32> to vector<512x512xbf16>
    %dot_general3A_217 = arith.constant dense<0.000000e+00> : vector<1x512xf32>
    %dot_general3A_218 = tpu.matmul %broadcast_in_dim3A_2, %convert_element_type3A_216, %dot_general3A_217 {dimension_numbers = #tpu.dot_dimension_numbers<[1], [0], [0], [1], [0, 0, 1, 1], [], []>, transpose_lhs_hint = false} : vector<1x512xbf16>, vector<512x512xbf16>, vector<1x512xf32> -> vector<1x512xf32>
    %add3A_219 = arith.addf %add3A_209, %dot_general3A_218 : vector<1x512xf32>
    %slice3A_220 = vector.extract_strided_slice %transpose3A {offsets = [2048, 0], sizes = [512, 1], strides = [1, 1]} : vector<4096x1xf32> to vector<512x1xf32>
    %lt3A_221 = vector.broadcast %slice3A_220 : vector<512x1xf32> to vector<512x512xf32>
    %lt3A_222 = vector.broadcast %slice3A_172 : vector<1x512xf32> to vector<512x512xf32>
    %lt3A_223 = arith.cmpf olt, %lt3A_221, %lt3A_222 : vector<512x512xf32>
    %convert_element_type3A_224 = arith.extui %lt3A_223 : vector<512x512xi1> to vector<512x512xi32>
    %convert_element_type3A_225 = arith.sitofp %convert_element_type3A_224 : vector<512x512xi32> to vector<512x512xf32>
    %convert_element_type3A_226 = arith.truncf %convert_element_type3A_225 : vector<512x512xf32> to vector<512x512xbf16>
    %dot_general3A_227 = arith.constant dense<0.000000e+00> : vector<1x512xf32>
    %dot_general3A_228 = tpu.matmul %broadcast_in_dim3A_2, %convert_element_type3A_226, %dot_general3A_227 {dimension_numbers = #tpu.dot_dimension_numbers<[1], [0], [0], [1], [0, 0, 1, 1], [], []>, transpose_lhs_hint = false} : vector<1x512xbf16>, vector<512x512xbf16>, vector<1x512xf32> -> vector<1x512xf32>
    %add3A_229 = arith.addf %add3A_219, %dot_general3A_228 : vector<1x512xf32>
    %slice3A_230 = vector.extract_strided_slice %transpose3A {offsets = [2560, 0], sizes = [512, 1], strides = [1, 1]} : vector<4096x1xf32> to vector<512x1xf32>
    %lt3A_231 = vector.broadcast %slice3A_230 : vector<512x1xf32> to vector<512x512xf32>
    %lt3A_232 = vector.broadcast %slice3A_172 : vector<1x512xf32> to vector<512x512xf32>
    %lt3A_233 = arith.cmpf olt, %lt3A_231, %lt3A_232 : vector<512x512xf32>
    %convert_element_type3A_234 = arith.extui %lt3A_233 : vector<512x512xi1> to vector<512x512xi32>
    %convert_element_type3A_235 = arith.sitofp %convert_element_type3A_234 : vector<512x512xi32> to vector<512x512xf32>
    %convert_element_type3A_236 = arith.truncf %convert_element_type3A_235 : vector<512x512xf32> to vector<512x512xbf16>
    %dot_general3A_237 = arith.constant dense<0.000000e+00> : vector<1x512xf32>
    %dot_general3A_238 = tpu.matmul %broadcast_in_dim3A_2, %convert_element_type3A_236, %dot_general3A_237 {dimension_numbers = #tpu.dot_dimension_numbers<[1], [0], [0], [1], [0, 0, 1, 1], [], []>, transpose_lhs_hint = false} : vector<1x512xbf16>, vector<512x512xbf16>, vector<1x512xf32> -> vector<1x512xf32>
    %add3A_239 = arith.addf %add3A_229, %dot_general3A_238 : vector<1x512xf32>
    %slice3A_240 = vector.extract_strided_slice %transpose3A {offsets = [3072, 0], sizes = [512, 1], strides = [1, 1]} : vector<4096x1xf32> to vector<512x1xf32>
    %lt3A_241 = vector.broadcast %slice3A_240 : vector<512x1xf32> to vector<512x512xf32>
    %lt3A_242 = vector.broadcast %slice3A_172 : vector<1x512xf32> to vector<512x512xf32>
    %lt3A_243 = arith.cmpf olt, %lt3A_241, %lt3A_242 : vector<512x512xf32>
    %convert_element_type3A_244 = arith.extui %lt3A_243 : vector<512x512xi1> to vector<512x512xi32>
    %convert_element_type3A_245 = arith.sitofp %convert_element_type3A_244 : vector<512x512xi32> to vector<512x512xf32>
    %convert_element_type3A_246 = arith.truncf %convert_element_type3A_245 : vector<512x512xf32> to vector<512x512xbf16>
    %dot_general3A_247 = arith.constant dense<0.000000e+00> : vector<1x512xf32>
    %dot_general3A_248 = tpu.matmul %broadcast_in_dim3A_2, %convert_element_type3A_246, %dot_general3A_247 {dimension_numbers = #tpu.dot_dimension_numbers<[1], [0], [0], [1], [0, 0, 1, 1], [], []>, transpose_lhs_hint = false} : vector<1x512xbf16>, vector<512x512xbf16>, vector<1x512xf32> -> vector<1x512xf32>
    %add3A_249 = arith.addf %add3A_239, %dot_general3A_248 : vector<1x512xf32>
    %slice3A_250 = vector.extract_strided_slice %transpose3A {offsets = [3584, 0], sizes = [512, 1], strides = [1, 1]} : vector<4096x1xf32> to vector<512x1xf32>
    %lt3A_251 = vector.broadcast %slice3A_250 : vector<512x1xf32> to vector<512x512xf32>
    %lt3A_252 = vector.broadcast %slice3A_172 : vector<1x512xf32> to vector<512x512xf32>
    %lt3A_253 = arith.cmpf olt, %lt3A_251, %lt3A_252 : vector<512x512xf32>
    %convert_element_type3A_254 = arith.extui %lt3A_253 : vector<512x512xi1> to vector<512x512xi32>
    %convert_element_type3A_255 = arith.sitofp %convert_element_type3A_254 : vector<512x512xi32> to vector<512x512xf32>
    %convert_element_type3A_256 = arith.truncf %convert_element_type3A_255 : vector<512x512xf32> to vector<512x512xbf16>
    %dot_general3A_257 = arith.constant dense<0.000000e+00> : vector<1x512xf32>
    %dot_general3A_258 = tpu.matmul %broadcast_in_dim3A_2, %convert_element_type3A_256, %dot_general3A_257 {dimension_numbers = #tpu.dot_dimension_numbers<[1], [0], [0], [1], [0, 0, 1, 1], [], []>, transpose_lhs_hint = false} : vector<1x512xbf16>, vector<512x512xbf16>, vector<1x512xf32> -> vector<1x512xf32>
    %add3A_259 = arith.addf %add3A_249, %dot_general3A_258 : vector<1x512xf32>
    %slice3A_260 = vector.extract_strided_slice %get3A_1 {offsets = [0, 1536], sizes = [1, 512], strides = [1, 1]} : vector<1x4096xf32> to vector<1x512xf32>
    %broadcast_in_dim3A_261 = arith.constant 0.000000e+00 : f32
    %broadcast_in_dim3A_262 = vector.broadcast %broadcast_in_dim3A_261 : f32 to vector<1x512xf32>
    %slice3A_263 = vector.extract_strided_slice %transpose3A {offsets = [0, 0], sizes = [512, 1], strides = [1, 1]} : vector<4096x1xf32> to vector<512x1xf32>
    %le3A_264 = vector.broadcast %slice3A_263 : vector<512x1xf32> to vector<512x512xf32>
    %le3A_265 = vector.broadcast %slice3A_260 : vector<1x512xf32> to vector<512x512xf32>
    %le3A_266 = arith.cmpf ole, %le3A_264, %le3A_265 : vector<512x512xf32>
    %convert_element_type3A_267 = arith.extui %le3A_266 : vector<512x512xi1> to vector<512x512xi32>
    %convert_element_type3A_268 = arith.sitofp %convert_element_type3A_267 : vector<512x512xi32> to vector<512x512xf32>
    %convert_element_type3A_269 = arith.truncf %convert_element_type3A_268 : vector<512x512xf32> to vector<512x512xbf16>
    %dot_general3A_270 = arith.constant dense<0.000000e+00> : vector<1x512xf32>
    %dot_general3A_271 = tpu.matmul %broadcast_in_dim3A_2, %convert_element_type3A_269, %dot_general3A_270 {dimension_numbers = #tpu.dot_dimension_numbers<[1], [0], [0], [1], [0, 0, 1, 1], [], []>, transpose_lhs_hint = false} : vector<1x512xbf16>, vector<512x512xbf16>, vector<1x512xf32> -> vector<1x512xf32>
    %add3A_272 = arith.addf %broadcast_in_dim3A_262, %dot_general3A_271 : vector<1x512xf32>
    %slice3A_273 = vector.extract_strided_slice %transpose3A {offsets = [512, 0], sizes = [512, 1], strides = [1, 1]} : vector<4096x1xf32> to vector<512x1xf32>
    %le3A_274 = vector.broadcast %slice3A_273 : vector<512x1xf32> to vector<512x512xf32>
    %le3A_275 = vector.broadcast %slice3A_260 : vector<1x512xf32> to vector<512x512xf32>
    %le3A_276 = arith.cmpf ole, %le3A_274, %le3A_275 : vector<512x512xf32>
    %convert_element_type3A_277 = arith.extui %le3A_276 : vector<512x512xi1> to vector<512x512xi32>
    %convert_element_type3A_278 = arith.sitofp %convert_element_type3A_277 : vector<512x512xi32> to vector<512x512xf32>
    %convert_element_type3A_279 = arith.truncf %convert_element_type3A_278 : vector<512x512xf32> to vector<512x512xbf16>
    %dot_general3A_280 = arith.constant dense<0.000000e+00> : vector<1x512xf32>
    %dot_general3A_281 = tpu.matmul %broadcast_in_dim3A_2, %convert_element_type3A_279, %dot_general3A_280 {dimension_numbers = #tpu.dot_dimension_numbers<[1], [0], [0], [1], [0, 0, 1, 1], [], []>, transpose_lhs_hint = false} : vector<1x512xbf16>, vector<512x512xbf16>, vector<1x512xf32> -> vector<1x512xf32>
    %add3A_282 = arith.addf %add3A_272, %dot_general3A_281 : vector<1x512xf32>
    %slice3A_283 = vector.extract_strided_slice %transpose3A {offsets = [1024, 0], sizes = [512, 1], strides = [1, 1]} : vector<4096x1xf32> to vector<512x1xf32>
    %le3A_284 = vector.broadcast %slice3A_283 : vector<512x1xf32> to vector<512x512xf32>
    %le3A_285 = vector.broadcast %slice3A_260 : vector<1x512xf32> to vector<512x512xf32>
    %le3A_286 = arith.cmpf ole, %le3A_284, %le3A_285 : vector<512x512xf32>
    %convert_element_type3A_287 = arith.extui %le3A_286 : vector<512x512xi1> to vector<512x512xi32>
    %convert_element_type3A_288 = arith.sitofp %convert_element_type3A_287 : vector<512x512xi32> to vector<512x512xf32>
    %convert_element_type3A_289 = arith.truncf %convert_element_type3A_288 : vector<512x512xf32> to vector<512x512xbf16>
    %dot_general3A_290 = arith.constant dense<0.000000e+00> : vector<1x512xf32>
    %dot_general3A_291 = tpu.matmul %broadcast_in_dim3A_2, %convert_element_type3A_289, %dot_general3A_290 {dimension_numbers = #tpu.dot_dimension_numbers<[1], [0], [0], [1], [0, 0, 1, 1], [], []>, transpose_lhs_hint = false} : vector<1x512xbf16>, vector<512x512xbf16>, vector<1x512xf32> -> vector<1x512xf32>
    %add3A_292 = arith.addf %add3A_282, %dot_general3A_291 : vector<1x512xf32>
    %slice3A_293 = vector.extract_strided_slice %transpose3A {offsets = [1536, 0], sizes = [512, 1], strides = [1, 1]} : vector<4096x1xf32> to vector<512x1xf32>
    %lt3A_294 = vector.broadcast %slice3A_293 : vector<512x1xf32> to vector<512x512xf32>
    %lt3A_295 = vector.broadcast %slice3A_260 : vector<1x512xf32> to vector<512x512xf32>
    %lt3A_296 = arith.cmpf olt, %lt3A_294, %lt3A_295 : vector<512x512xf32>
    %eq3A_297 = vector.broadcast %slice3A_293 : vector<512x1xf32> to vector<512x512xf32>
    %eq3A_298 = vector.broadcast %slice3A_260 : vector<1x512xf32> to vector<512x512xf32>
    %eq3A_299 = arith.cmpf oeq, %eq3A_297, %eq3A_298 : vector<512x512xf32>
    %and3A_300 = arith.andi %eq3A_299, %lt3A : vector<512x512xi1>
    %or3A_301 = arith.ori %lt3A_296, %and3A_300 : vector<512x512xi1>
    %convert_element_type3A_302 = arith.extui %or3A_301 : vector<512x512xi1> to vector<512x512xi32>
    %convert_element_type3A_303 = arith.sitofp %convert_element_type3A_302 : vector<512x512xi32> to vector<512x512xf32>
    %convert_element_type3A_304 = arith.truncf %convert_element_type3A_303 : vector<512x512xf32> to vector<512x512xbf16>
    %dot_general3A_305 = arith.constant dense<0.000000e+00> : vector<1x512xf32>
    %dot_general3A_306 = tpu.matmul %broadcast_in_dim3A_2, %convert_element_type3A_304, %dot_general3A_305 {dimension_numbers = #tpu.dot_dimension_numbers<[1], [0], [0], [1], [0, 0, 1, 1], [], []>, transpose_lhs_hint = false} : vector<1x512xbf16>, vector<512x512xbf16>, vector<1x512xf32> -> vector<1x512xf32>
    %add3A_307 = arith.addf %add3A_292, %dot_general3A_306 : vector<1x512xf32>
    %slice3A_308 = vector.extract_strided_slice %transpose3A {offsets = [2048, 0], sizes = [512, 1], strides = [1, 1]} : vector<4096x1xf32> to vector<512x1xf32>
    %lt3A_309 = vector.broadcast %slice3A_308 : vector<512x1xf32> to vector<512x512xf32>
    %lt3A_310 = vector.broadcast %slice3A_260 : vector<1x512xf32> to vector<512x512xf32>
    %lt3A_311 = arith.cmpf olt, %lt3A_309, %lt3A_310 : vector<512x512xf32>
    %convert_element_type3A_312 = arith.extui %lt3A_311 : vector<512x512xi1> to vector<512x512xi32>
    %convert_element_type3A_313 = arith.sitofp %convert_element_type3A_312 : vector<512x512xi32> to vector<512x512xf32>
    %convert_element_type3A_314 = arith.truncf %convert_element_type3A_313 : vector<512x512xf32> to vector<512x512xbf16>
    %dot_general3A_315 = arith.constant dense<0.000000e+00> : vector<1x512xf32>
    %dot_general3A_316 = tpu.matmul %broadcast_in_dim3A_2, %convert_element_type3A_314, %dot_general3A_315 {dimension_numbers = #tpu.dot_dimension_numbers<[1], [0], [0], [1], [0, 0, 1, 1], [], []>, transpose_lhs_hint = false} : vector<1x512xbf16>, vector<512x512xbf16>, vector<1x512xf32> -> vector<1x512xf32>
    %add3A_317 = arith.addf %add3A_307, %dot_general3A_316 : vector<1x512xf32>
    %slice3A_318 = vector.extract_strided_slice %transpose3A {offsets = [2560, 0], sizes = [512, 1], strides = [1, 1]} : vector<4096x1xf32> to vector<512x1xf32>
    %lt3A_319 = vector.broadcast %slice3A_318 : vector<512x1xf32> to vector<512x512xf32>
    %lt3A_320 = vector.broadcast %slice3A_260 : vector<1x512xf32> to vector<512x512xf32>
    %lt3A_321 = arith.cmpf olt, %lt3A_319, %lt3A_320 : vector<512x512xf32>
    %convert_element_type3A_322 = arith.extui %lt3A_321 : vector<512x512xi1> to vector<512x512xi32>
    %convert_element_type3A_323 = arith.sitofp %convert_element_type3A_322 : vector<512x512xi32> to vector<512x512xf32>
    %convert_element_type3A_324 = arith.truncf %convert_element_type3A_323 : vector<512x512xf32> to vector<512x512xbf16>
    %dot_general3A_325 = arith.constant dense<0.000000e+00> : vector<1x512xf32>
    %dot_general3A_326 = tpu.matmul %broadcast_in_dim3A_2, %convert_element_type3A_324, %dot_general3A_325 {dimension_numbers = #tpu.dot_dimension_numbers<[1], [0], [0], [1], [0, 0, 1, 1], [], []>, transpose_lhs_hint = false} : vector<1x512xbf16>, vector<512x512xbf16>, vector<1x512xf32> -> vector<1x512xf32>
    %add3A_327 = arith.addf %add3A_317, %dot_general3A_326 : vector<1x512xf32>
    %slice3A_328 = vector.extract_strided_slice %transpose3A {offsets = [3072, 0], sizes = [512, 1], strides = [1, 1]} : vector<4096x1xf32> to vector<512x1xf32>
    %lt3A_329 = vector.broadcast %slice3A_328 : vector<512x1xf32> to vector<512x512xf32>
    %lt3A_330 = vector.broadcast %slice3A_260 : vector<1x512xf32> to vector<512x512xf32>
    %lt3A_331 = arith.cmpf olt, %lt3A_329, %lt3A_330 : vector<512x512xf32>
    %convert_element_type3A_332 = arith.extui %lt3A_331 : vector<512x512xi1> to vector<512x512xi32>
    %convert_element_type3A_333 = arith.sitofp %convert_element_type3A_332 : vector<512x512xi32> to vector<512x512xf32>
    %convert_element_type3A_334 = arith.truncf %convert_element_type3A_333 : vector<512x512xf32> to vector<512x512xbf16>
    %dot_general3A_335 = arith.constant dense<0.000000e+00> : vector<1x512xf32>
    %dot_general3A_336 = tpu.matmul %broadcast_in_dim3A_2, %convert_element_type3A_334, %dot_general3A_335 {dimension_numbers = #tpu.dot_dimension_numbers<[1], [0], [0], [1], [0, 0, 1, 1], [], []>, transpose_lhs_hint = false} : vector<1x512xbf16>, vector<512x512xbf16>, vector<1x512xf32> -> vector<1x512xf32>
    %add3A_337 = arith.addf %add3A_327, %dot_general3A_336 : vector<1x512xf32>
    %slice3A_338 = vector.extract_strided_slice %transpose3A {offsets = [3584, 0], sizes = [512, 1], strides = [1, 1]} : vector<4096x1xf32> to vector<512x1xf32>
    %lt3A_339 = vector.broadcast %slice3A_338 : vector<512x1xf32> to vector<512x512xf32>
    %lt3A_340 = vector.broadcast %slice3A_260 : vector<1x512xf32> to vector<512x512xf32>
    %lt3A_341 = arith.cmpf olt, %lt3A_339, %lt3A_340 : vector<512x512xf32>
    %convert_element_type3A_342 = arith.extui %lt3A_341 : vector<512x512xi1> to vector<512x512xi32>
    %convert_element_type3A_343 = arith.sitofp %convert_element_type3A_342 : vector<512x512xi32> to vector<512x512xf32>
    %convert_element_type3A_344 = arith.truncf %convert_element_type3A_343 : vector<512x512xf32> to vector<512x512xbf16>
    %dot_general3A_345 = arith.constant dense<0.000000e+00> : vector<1x512xf32>
    %dot_general3A_346 = tpu.matmul %broadcast_in_dim3A_2, %convert_element_type3A_344, %dot_general3A_345 {dimension_numbers = #tpu.dot_dimension_numbers<[1], [0], [0], [1], [0, 0, 1, 1], [], []>, transpose_lhs_hint = false} : vector<1x512xbf16>, vector<512x512xbf16>, vector<1x512xf32> -> vector<1x512xf32>
    %add3A_347 = arith.addf %add3A_337, %dot_general3A_346 : vector<1x512xf32>
    %slice3A_348 = vector.extract_strided_slice %get3A_1 {offsets = [0, 2048], sizes = [1, 512], strides = [1, 1]} : vector<1x4096xf32> to vector<1x512xf32>
    %broadcast_in_dim3A_349 = arith.constant 0.000000e+00 : f32
    %broadcast_in_dim3A_350 = vector.broadcast %broadcast_in_dim3A_349 : f32 to vector<1x512xf32>
    %slice3A_351 = vector.extract_strided_slice %transpose3A {offsets = [0, 0], sizes = [512, 1], strides = [1, 1]} : vector<4096x1xf32> to vector<512x1xf32>
    %le3A_352 = vector.broadcast %slice3A_351 : vector<512x1xf32> to vector<512x512xf32>
    %le3A_353 = vector.broadcast %slice3A_348 : vector<1x512xf32> to vector<512x512xf32>
    %le3A_354 = arith.cmpf ole, %le3A_352, %le3A_353 : vector<512x512xf32>
    %convert_element_type3A_355 = arith.extui %le3A_354 : vector<512x512xi1> to vector<512x512xi32>
    %convert_element_type3A_356 = arith.sitofp %convert_element_type3A_355 : vector<512x512xi32> to vector<512x512xf32>
    %convert_element_type3A_357 = arith.truncf %convert_element_type3A_356 : vector<512x512xf32> to vector<512x512xbf16>
    %dot_general3A_358 = arith.constant dense<0.000000e+00> : vector<1x512xf32>
    %dot_general3A_359 = tpu.matmul %broadcast_in_dim3A_2, %convert_element_type3A_357, %dot_general3A_358 {dimension_numbers = #tpu.dot_dimension_numbers<[1], [0], [0], [1], [0, 0, 1, 1], [], []>, transpose_lhs_hint = false} : vector<1x512xbf16>, vector<512x512xbf16>, vector<1x512xf32> -> vector<1x512xf32>
    %add3A_360 = arith.addf %broadcast_in_dim3A_350, %dot_general3A_359 : vector<1x512xf32>
    %slice3A_361 = vector.extract_strided_slice %transpose3A {offsets = [512, 0], sizes = [512, 1], strides = [1, 1]} : vector<4096x1xf32> to vector<512x1xf32>
    %le3A_362 = vector.broadcast %slice3A_361 : vector<512x1xf32> to vector<512x512xf32>
    %le3A_363 = vector.broadcast %slice3A_348 : vector<1x512xf32> to vector<512x512xf32>
    %le3A_364 = arith.cmpf ole, %le3A_362, %le3A_363 : vector<512x512xf32>
    %convert_element_type3A_365 = arith.extui %le3A_364 : vector<512x512xi1> to vector<512x512xi32>
    %convert_element_type3A_366 = arith.sitofp %convert_element_type3A_365 : vector<512x512xi32> to vector<512x512xf32>
    %convert_element_type3A_367 = arith.truncf %convert_element_type3A_366 : vector<512x512xf32> to vector<512x512xbf16>
    %dot_general3A_368 = arith.constant dense<0.000000e+00> : vector<1x512xf32>
    %dot_general3A_369 = tpu.matmul %broadcast_in_dim3A_2, %convert_element_type3A_367, %dot_general3A_368 {dimension_numbers = #tpu.dot_dimension_numbers<[1], [0], [0], [1], [0, 0, 1, 1], [], []>, transpose_lhs_hint = false} : vector<1x512xbf16>, vector<512x512xbf16>, vector<1x512xf32> -> vector<1x512xf32>
    %add3A_370 = arith.addf %add3A_360, %dot_general3A_369 : vector<1x512xf32>
    %slice3A_371 = vector.extract_strided_slice %transpose3A {offsets = [1024, 0], sizes = [512, 1], strides = [1, 1]} : vector<4096x1xf32> to vector<512x1xf32>
    %le3A_372 = vector.broadcast %slice3A_371 : vector<512x1xf32> to vector<512x512xf32>
    %le3A_373 = vector.broadcast %slice3A_348 : vector<1x512xf32> to vector<512x512xf32>
    %le3A_374 = arith.cmpf ole, %le3A_372, %le3A_373 : vector<512x512xf32>
    %convert_element_type3A_375 = arith.extui %le3A_374 : vector<512x512xi1> to vector<512x512xi32>
    %convert_element_type3A_376 = arith.sitofp %convert_element_type3A_375 : vector<512x512xi32> to vector<512x512xf32>
    %convert_element_type3A_377 = arith.truncf %convert_element_type3A_376 : vector<512x512xf32> to vector<512x512xbf16>
    %dot_general3A_378 = arith.constant dense<0.000000e+00> : vector<1x512xf32>
    %dot_general3A_379 = tpu.matmul %broadcast_in_dim3A_2, %convert_element_type3A_377, %dot_general3A_378 {dimension_numbers = #tpu.dot_dimension_numbers<[1], [0], [0], [1], [0, 0, 1, 1], [], []>, transpose_lhs_hint = false} : vector<1x512xbf16>, vector<512x512xbf16>, vector<1x512xf32> -> vector<1x512xf32>
    %add3A_380 = arith.addf %add3A_370, %dot_general3A_379 : vector<1x512xf32>
    %slice3A_381 = vector.extract_strided_slice %transpose3A {offsets = [1536, 0], sizes = [512, 1], strides = [1, 1]} : vector<4096x1xf32> to vector<512x1xf32>
    %le3A_382 = vector.broadcast %slice3A_381 : vector<512x1xf32> to vector<512x512xf32>
    %le3A_383 = vector.broadcast %slice3A_348 : vector<1x512xf32> to vector<512x512xf32>
    %le3A_384 = arith.cmpf ole, %le3A_382, %le3A_383 : vector<512x512xf32>
    %convert_element_type3A_385 = arith.extui %le3A_384 : vector<512x512xi1> to vector<512x512xi32>
    %convert_element_type3A_386 = arith.sitofp %convert_element_type3A_385 : vector<512x512xi32> to vector<512x512xf32>
    %convert_element_type3A_387 = arith.truncf %convert_element_type3A_386 : vector<512x512xf32> to vector<512x512xbf16>
    %dot_general3A_388 = arith.constant dense<0.000000e+00> : vector<1x512xf32>
    %dot_general3A_389 = tpu.matmul %broadcast_in_dim3A_2, %convert_element_type3A_387, %dot_general3A_388 {dimension_numbers = #tpu.dot_dimension_numbers<[1], [0], [0], [1], [0, 0, 1, 1], [], []>, transpose_lhs_hint = false} : vector<1x512xbf16>, vector<512x512xbf16>, vector<1x512xf32> -> vector<1x512xf32>
    %add3A_390 = arith.addf %add3A_380, %dot_general3A_389 : vector<1x512xf32>
    %slice3A_391 = vector.extract_strided_slice %transpose3A {offsets = [2048, 0], sizes = [512, 1], strides = [1, 1]} : vector<4096x1xf32> to vector<512x1xf32>
    %lt3A_392 = vector.broadcast %slice3A_391 : vector<512x1xf32> to vector<512x512xf32>
    %lt3A_393 = vector.broadcast %slice3A_348 : vector<1x512xf32> to vector<512x512xf32>
    %lt3A_394 = arith.cmpf olt, %lt3A_392, %lt3A_393 : vector<512x512xf32>
    %eq3A_395 = vector.broadcast %slice3A_391 : vector<512x1xf32> to vector<512x512xf32>
    %eq3A_396 = vector.broadcast %slice3A_348 : vector<1x512xf32> to vector<512x512xf32>
    %eq3A_397 = arith.cmpf oeq, %eq3A_395, %eq3A_396 : vector<512x512xf32>
    %and3A_398 = arith.andi %eq3A_397, %lt3A : vector<512x512xi1>
    %or3A_399 = arith.ori %lt3A_394, %and3A_398 : vector<512x512xi1>
    %convert_element_type3A_400 = arith.extui %or3A_399 : vector<512x512xi1> to vector<512x512xi32>
    %convert_element_type3A_401 = arith.sitofp %convert_element_type3A_400 : vector<512x512xi32> to vector<512x512xf32>
    %convert_element_type3A_402 = arith.truncf %convert_element_type3A_401 : vector<512x512xf32> to vector<512x512xbf16>
    %dot_general3A_403 = arith.constant dense<0.000000e+00> : vector<1x512xf32>
    %dot_general3A_404 = tpu.matmul %broadcast_in_dim3A_2, %convert_element_type3A_402, %dot_general3A_403 {dimension_numbers = #tpu.dot_dimension_numbers<[1], [0], [0], [1], [0, 0, 1, 1], [], []>, transpose_lhs_hint = false} : vector<1x512xbf16>, vector<512x512xbf16>, vector<1x512xf32> -> vector<1x512xf32>
    %add3A_405 = arith.addf %add3A_390, %dot_general3A_404 : vector<1x512xf32>
    %slice3A_406 = vector.extract_strided_slice %transpose3A {offsets = [2560, 0], sizes = [512, 1], strides = [1, 1]} : vector<4096x1xf32> to vector<512x1xf32>
    %lt3A_407 = vector.broadcast %slice3A_406 : vector<512x1xf32> to vector<512x512xf32>
    %lt3A_408 = vector.broadcast %slice3A_348 : vector<1x512xf32> to vector<512x512xf32>
    %lt3A_409 = arith.cmpf olt, %lt3A_407, %lt3A_408 : vector<512x512xf32>
    %convert_element_type3A_410 = arith.extui %lt3A_409 : vector<512x512xi1> to vector<512x512xi32>
    %convert_element_type3A_411 = arith.sitofp %convert_element_type3A_410 : vector<512x512xi32> to vector<512x512xf32>
    %convert_element_type3A_412 = arith.truncf %convert_element_type3A_411 : vector<512x512xf32> to vector<512x512xbf16>
    %dot_general3A_413 = arith.constant dense<0.000000e+00> : vector<1x512xf32>
    %dot_general3A_414 = tpu.matmul %broadcast_in_dim3A_2, %convert_element_type3A_412, %dot_general3A_413 {dimension_numbers = #tpu.dot_dimension_numbers<[1], [0], [0], [1], [0, 0, 1, 1], [], []>, transpose_lhs_hint = false} : vector<1x512xbf16>, vector<512x512xbf16>, vector<1x512xf32> -> vector<1x512xf32>
    %add3A_415 = arith.addf %add3A_405, %dot_general3A_414 : vector<1x512xf32>
    %slice3A_416 = vector.extract_strided_slice %transpose3A {offsets = [3072, 0], sizes = [512, 1], strides = [1, 1]} : vector<4096x1xf32> to vector<512x1xf32>
    %lt3A_417 = vector.broadcast %slice3A_416 : vector<512x1xf32> to vector<512x512xf32>
    %lt3A_418 = vector.broadcast %slice3A_348 : vector<1x512xf32> to vector<512x512xf32>
    %lt3A_419 = arith.cmpf olt, %lt3A_417, %lt3A_418 : vector<512x512xf32>
    %convert_element_type3A_420 = arith.extui %lt3A_419 : vector<512x512xi1> to vector<512x512xi32>
    %convert_element_type3A_421 = arith.sitofp %convert_element_type3A_420 : vector<512x512xi32> to vector<512x512xf32>
    %convert_element_type3A_422 = arith.truncf %convert_element_type3A_421 : vector<512x512xf32> to vector<512x512xbf16>
    %dot_general3A_423 = arith.constant dense<0.000000e+00> : vector<1x512xf32>
    %dot_general3A_424 = tpu.matmul %broadcast_in_dim3A_2, %convert_element_type3A_422, %dot_general3A_423 {dimension_numbers = #tpu.dot_dimension_numbers<[1], [0], [0], [1], [0, 0, 1, 1], [], []>, transpose_lhs_hint = false} : vector<1x512xbf16>, vector<512x512xbf16>, vector<1x512xf32> -> vector<1x512xf32>
    %add3A_425 = arith.addf %add3A_415, %dot_general3A_424 : vector<1x512xf32>
    %slice3A_426 = vector.extract_strided_slice %transpose3A {offsets = [3584, 0], sizes = [512, 1], strides = [1, 1]} : vector<4096x1xf32> to vector<512x1xf32>
    %lt3A_427 = vector.broadcast %slice3A_426 : vector<512x1xf32> to vector<512x512xf32>
    %lt3A_428 = vector.broadcast %slice3A_348 : vector<1x512xf32> to vector<512x512xf32>
    %lt3A_429 = arith.cmpf olt, %lt3A_427, %lt3A_428 : vector<512x512xf32>
    %convert_element_type3A_430 = arith.extui %lt3A_429 : vector<512x512xi1> to vector<512x512xi32>
    %convert_element_type3A_431 = arith.sitofp %convert_element_type3A_430 : vector<512x512xi32> to vector<512x512xf32>
    %convert_element_type3A_432 = arith.truncf %convert_element_type3A_431 : vector<512x512xf32> to vector<512x512xbf16>
    %dot_general3A_433 = arith.constant dense<0.000000e+00> : vector<1x512xf32>
    %dot_general3A_434 = tpu.matmul %broadcast_in_dim3A_2, %convert_element_type3A_432, %dot_general3A_433 {dimension_numbers = #tpu.dot_dimension_numbers<[1], [0], [0], [1], [0, 0, 1, 1], [], []>, transpose_lhs_hint = false} : vector<1x512xbf16>, vector<512x512xbf16>, vector<1x512xf32> -> vector<1x512xf32>
    %add3A_435 = arith.addf %add3A_425, %dot_general3A_434 : vector<1x512xf32>
    %slice3A_436 = vector.extract_strided_slice %get3A_1 {offsets = [0, 2560], sizes = [1, 512], strides = [1, 1]} : vector<1x4096xf32> to vector<1x512xf32>
    %broadcast_in_dim3A_437 = arith.constant 0.000000e+00 : f32
    %broadcast_in_dim3A_438 = vector.broadcast %broadcast_in_dim3A_437 : f32 to vector<1x512xf32>
    %slice3A_439 = vector.extract_strided_slice %transpose3A {offsets = [0, 0], sizes = [512, 1], strides = [1, 1]} : vector<4096x1xf32> to vector<512x1xf32>
    %le3A_440 = vector.broadcast %slice3A_439 : vector<512x1xf32> to vector<512x512xf32>
    %le3A_441 = vector.broadcast %slice3A_436 : vector<1x512xf32> to vector<512x512xf32>
    %le3A_442 = arith.cmpf ole, %le3A_440, %le3A_441 : vector<512x512xf32>
    %convert_element_type3A_443 = arith.extui %le3A_442 : vector<512x512xi1> to vector<512x512xi32>
    %convert_element_type3A_444 = arith.sitofp %convert_element_type3A_443 : vector<512x512xi32> to vector<512x512xf32>
    %convert_element_type3A_445 = arith.truncf %convert_element_type3A_444 : vector<512x512xf32> to vector<512x512xbf16>
    %dot_general3A_446 = arith.constant dense<0.000000e+00> : vector<1x512xf32>
    %dot_general3A_447 = tpu.matmul %broadcast_in_dim3A_2, %convert_element_type3A_445, %dot_general3A_446 {dimension_numbers = #tpu.dot_dimension_numbers<[1], [0], [0], [1], [0, 0, 1, 1], [], []>, transpose_lhs_hint = false} : vector<1x512xbf16>, vector<512x512xbf16>, vector<1x512xf32> -> vector<1x512xf32>
    %add3A_448 = arith.addf %broadcast_in_dim3A_438, %dot_general3A_447 : vector<1x512xf32>
    %slice3A_449 = vector.extract_strided_slice %transpose3A {offsets = [512, 0], sizes = [512, 1], strides = [1, 1]} : vector<4096x1xf32> to vector<512x1xf32>
    %le3A_450 = vector.broadcast %slice3A_449 : vector<512x1xf32> to vector<512x512xf32>
    %le3A_451 = vector.broadcast %slice3A_436 : vector<1x512xf32> to vector<512x512xf32>
    %le3A_452 = arith.cmpf ole, %le3A_450, %le3A_451 : vector<512x512xf32>
    %convert_element_type3A_453 = arith.extui %le3A_452 : vector<512x512xi1> to vector<512x512xi32>
    %convert_element_type3A_454 = arith.sitofp %convert_element_type3A_453 : vector<512x512xi32> to vector<512x512xf32>
    %convert_element_type3A_455 = arith.truncf %convert_element_type3A_454 : vector<512x512xf32> to vector<512x512xbf16>
    %dot_general3A_456 = arith.constant dense<0.000000e+00> : vector<1x512xf32>
    %dot_general3A_457 = tpu.matmul %broadcast_in_dim3A_2, %convert_element_type3A_455, %dot_general3A_456 {dimension_numbers = #tpu.dot_dimension_numbers<[1], [0], [0], [1], [0, 0, 1, 1], [], []>, transpose_lhs_hint = false} : vector<1x512xbf16>, vector<512x512xbf16>, vector<1x512xf32> -> vector<1x512xf32>
    %add3A_458 = arith.addf %add3A_448, %dot_general3A_457 : vector<1x512xf32>
    %slice3A_459 = vector.extract_strided_slice %transpose3A {offsets = [1024, 0], sizes = [512, 1], strides = [1, 1]} : vector<4096x1xf32> to vector<512x1xf32>
    %le3A_460 = vector.broadcast %slice3A_459 : vector<512x1xf32> to vector<512x512xf32>
    %le3A_461 = vector.broadcast %slice3A_436 : vector<1x512xf32> to vector<512x512xf32>
    %le3A_462 = arith.cmpf ole, %le3A_460, %le3A_461 : vector<512x512xf32>
    %convert_element_type3A_463 = arith.extui %le3A_462 : vector<512x512xi1> to vector<512x512xi32>
    %convert_element_type3A_464 = arith.sitofp %convert_element_type3A_463 : vector<512x512xi32> to vector<512x512xf32>
    %convert_element_type3A_465 = arith.truncf %convert_element_type3A_464 : vector<512x512xf32> to vector<512x512xbf16>
    %dot_general3A_466 = arith.constant dense<0.000000e+00> : vector<1x512xf32>
    %dot_general3A_467 = tpu.matmul %broadcast_in_dim3A_2, %convert_element_type3A_465, %dot_general3A_466 {dimension_numbers = #tpu.dot_dimension_numbers<[1], [0], [0], [1], [0, 0, 1, 1], [], []>, transpose_lhs_hint = false} : vector<1x512xbf16>, vector<512x512xbf16>, vector<1x512xf32> -> vector<1x512xf32>
    %add3A_468 = arith.addf %add3A_458, %dot_general3A_467 : vector<1x512xf32>
    %slice3A_469 = vector.extract_strided_slice %transpose3A {offsets = [1536, 0], sizes = [512, 1], strides = [1, 1]} : vector<4096x1xf32> to vector<512x1xf32>
    %le3A_470 = vector.broadcast %slice3A_469 : vector<512x1xf32> to vector<512x512xf32>
    %le3A_471 = vector.broadcast %slice3A_436 : vector<1x512xf32> to vector<512x512xf32>
    %le3A_472 = arith.cmpf ole, %le3A_470, %le3A_471 : vector<512x512xf32>
    %convert_element_type3A_473 = arith.extui %le3A_472 : vector<512x512xi1> to vector<512x512xi32>
    %convert_element_type3A_474 = arith.sitofp %convert_element_type3A_473 : vector<512x512xi32> to vector<512x512xf32>
    %convert_element_type3A_475 = arith.truncf %convert_element_type3A_474 : vector<512x512xf32> to vector<512x512xbf16>
    %dot_general3A_476 = arith.constant dense<0.000000e+00> : vector<1x512xf32>
    %dot_general3A_477 = tpu.matmul %broadcast_in_dim3A_2, %convert_element_type3A_475, %dot_general3A_476 {dimension_numbers = #tpu.dot_dimension_numbers<[1], [0], [0], [1], [0, 0, 1, 1], [], []>, transpose_lhs_hint = false} : vector<1x512xbf16>, vector<512x512xbf16>, vector<1x512xf32> -> vector<1x512xf32>
    %add3A_478 = arith.addf %add3A_468, %dot_general3A_477 : vector<1x512xf32>
    %slice3A_479 = vector.extract_strided_slice %transpose3A {offsets = [2048, 0], sizes = [512, 1], strides = [1, 1]} : vector<4096x1xf32> to vector<512x1xf32>
    %le3A_480 = vector.broadcast %slice3A_479 : vector<512x1xf32> to vector<512x512xf32>
    %le3A_481 = vector.broadcast %slice3A_436 : vector<1x512xf32> to vector<512x512xf32>
    %le3A_482 = arith.cmpf ole, %le3A_480, %le3A_481 : vector<512x512xf32>
    %convert_element_type3A_483 = arith.extui %le3A_482 : vector<512x512xi1> to vector<512x512xi32>
    %convert_element_type3A_484 = arith.sitofp %convert_element_type3A_483 : vector<512x512xi32> to vector<512x512xf32>
    %convert_element_type3A_485 = arith.truncf %convert_element_type3A_484 : vector<512x512xf32> to vector<512x512xbf16>
    %dot_general3A_486 = arith.constant dense<0.000000e+00> : vector<1x512xf32>
    %dot_general3A_487 = tpu.matmul %broadcast_in_dim3A_2, %convert_element_type3A_485, %dot_general3A_486 {dimension_numbers = #tpu.dot_dimension_numbers<[1], [0], [0], [1], [0, 0, 1, 1], [], []>, transpose_lhs_hint = false} : vector<1x512xbf16>, vector<512x512xbf16>, vector<1x512xf32> -> vector<1x512xf32>
    %add3A_488 = arith.addf %add3A_478, %dot_general3A_487 : vector<1x512xf32>
    %slice3A_489 = vector.extract_strided_slice %transpose3A {offsets = [2560, 0], sizes = [512, 1], strides = [1, 1]} : vector<4096x1xf32> to vector<512x1xf32>
    %lt3A_490 = vector.broadcast %slice3A_489 : vector<512x1xf32> to vector<512x512xf32>
    %lt3A_491 = vector.broadcast %slice3A_436 : vector<1x512xf32> to vector<512x512xf32>
    %lt3A_492 = arith.cmpf olt, %lt3A_490, %lt3A_491 : vector<512x512xf32>
    %eq3A_493 = vector.broadcast %slice3A_489 : vector<512x1xf32> to vector<512x512xf32>
    %eq3A_494 = vector.broadcast %slice3A_436 : vector<1x512xf32> to vector<512x512xf32>
    %eq3A_495 = arith.cmpf oeq, %eq3A_493, %eq3A_494 : vector<512x512xf32>
    %and3A_496 = arith.andi %eq3A_495, %lt3A : vector<512x512xi1>
    %or3A_497 = arith.ori %lt3A_492, %and3A_496 : vector<512x512xi1>
    %convert_element_type3A_498 = arith.extui %or3A_497 : vector<512x512xi1> to vector<512x512xi32>
    %convert_element_type3A_499 = arith.sitofp %convert_element_type3A_498 : vector<512x512xi32> to vector<512x512xf32>
    %convert_element_type3A_500 = arith.truncf %convert_element_type3A_499 : vector<512x512xf32> to vector<512x512xbf16>
    %dot_general3A_501 = arith.constant dense<0.000000e+00> : vector<1x512xf32>
    %dot_general3A_502 = tpu.matmul %broadcast_in_dim3A_2, %convert_element_type3A_500, %dot_general3A_501 {dimension_numbers = #tpu.dot_dimension_numbers<[1], [0], [0], [1], [0, 0, 1, 1], [], []>, transpose_lhs_hint = false} : vector<1x512xbf16>, vector<512x512xbf16>, vector<1x512xf32> -> vector<1x512xf32>
    %add3A_503 = arith.addf %add3A_488, %dot_general3A_502 : vector<1x512xf32>
    %slice3A_504 = vector.extract_strided_slice %transpose3A {offsets = [3072, 0], sizes = [512, 1], strides = [1, 1]} : vector<4096x1xf32> to vector<512x1xf32>
    %lt3A_505 = vector.broadcast %slice3A_504 : vector<512x1xf32> to vector<512x512xf32>
    %lt3A_506 = vector.broadcast %slice3A_436 : vector<1x512xf32> to vector<512x512xf32>
    %lt3A_507 = arith.cmpf olt, %lt3A_505, %lt3A_506 : vector<512x512xf32>
    %convert_element_type3A_508 = arith.extui %lt3A_507 : vector<512x512xi1> to vector<512x512xi32>
    %convert_element_type3A_509 = arith.sitofp %convert_element_type3A_508 : vector<512x512xi32> to vector<512x512xf32>
    %convert_element_type3A_510 = arith.truncf %convert_element_type3A_509 : vector<512x512xf32> to vector<512x512xbf16>
    %dot_general3A_511 = arith.constant dense<0.000000e+00> : vector<1x512xf32>
    %dot_general3A_512 = tpu.matmul %broadcast_in_dim3A_2, %convert_element_type3A_510, %dot_general3A_511 {dimension_numbers = #tpu.dot_dimension_numbers<[1], [0], [0], [1], [0, 0, 1, 1], [], []>, transpose_lhs_hint = false} : vector<1x512xbf16>, vector<512x512xbf16>, vector<1x512xf32> -> vector<1x512xf32>
    %add3A_513 = arith.addf %add3A_503, %dot_general3A_512 : vector<1x512xf32>
    %slice3A_514 = vector.extract_strided_slice %transpose3A {offsets = [3584, 0], sizes = [512, 1], strides = [1, 1]} : vector<4096x1xf32> to vector<512x1xf32>
    %lt3A_515 = vector.broadcast %slice3A_514 : vector<512x1xf32> to vector<512x512xf32>
    %lt3A_516 = vector.broadcast %slice3A_436 : vector<1x512xf32> to vector<512x512xf32>
    %lt3A_517 = arith.cmpf olt, %lt3A_515, %lt3A_516 : vector<512x512xf32>
    %convert_element_type3A_518 = arith.extui %lt3A_517 : vector<512x512xi1> to vector<512x512xi32>
    %convert_element_type3A_519 = arith.sitofp %convert_element_type3A_518 : vector<512x512xi32> to vector<512x512xf32>
    %convert_element_type3A_520 = arith.truncf %convert_element_type3A_519 : vector<512x512xf32> to vector<512x512xbf16>
    %dot_general3A_521 = arith.constant dense<0.000000e+00> : vector<1x512xf32>
    %dot_general3A_522 = tpu.matmul %broadcast_in_dim3A_2, %convert_element_type3A_520, %dot_general3A_521 {dimension_numbers = #tpu.dot_dimension_numbers<[1], [0], [0], [1], [0, 0, 1, 1], [], []>, transpose_lhs_hint = false} : vector<1x512xbf16>, vector<512x512xbf16>, vector<1x512xf32> -> vector<1x512xf32>
    %add3A_523 = arith.addf %add3A_513, %dot_general3A_522 : vector<1x512xf32>
    %slice3A_524 = vector.extract_strided_slice %get3A_1 {offsets = [0, 3072], sizes = [1, 512], strides = [1, 1]} : vector<1x4096xf32> to vector<1x512xf32>
    %broadcast_in_dim3A_525 = arith.constant 0.000000e+00 : f32
    %broadcast_in_dim3A_526 = vector.broadcast %broadcast_in_dim3A_525 : f32 to vector<1x512xf32>
    %slice3A_527 = vector.extract_strided_slice %transpose3A {offsets = [0, 0], sizes = [512, 1], strides = [1, 1]} : vector<4096x1xf32> to vector<512x1xf32>
    %le3A_528 = vector.broadcast %slice3A_527 : vector<512x1xf32> to vector<512x512xf32>
    %le3A_529 = vector.broadcast %slice3A_524 : vector<1x512xf32> to vector<512x512xf32>
    %le3A_530 = arith.cmpf ole, %le3A_528, %le3A_529 : vector<512x512xf32>
    %convert_element_type3A_531 = arith.extui %le3A_530 : vector<512x512xi1> to vector<512x512xi32>
    %convert_element_type3A_532 = arith.sitofp %convert_element_type3A_531 : vector<512x512xi32> to vector<512x512xf32>
    %convert_element_type3A_533 = arith.truncf %convert_element_type3A_532 : vector<512x512xf32> to vector<512x512xbf16>
    %dot_general3A_534 = arith.constant dense<0.000000e+00> : vector<1x512xf32>
    %dot_general3A_535 = tpu.matmul %broadcast_in_dim3A_2, %convert_element_type3A_533, %dot_general3A_534 {dimension_numbers = #tpu.dot_dimension_numbers<[1], [0], [0], [1], [0, 0, 1, 1], [], []>, transpose_lhs_hint = false} : vector<1x512xbf16>, vector<512x512xbf16>, vector<1x512xf32> -> vector<1x512xf32>
    %add3A_536 = arith.addf %broadcast_in_dim3A_526, %dot_general3A_535 : vector<1x512xf32>
    %slice3A_537 = vector.extract_strided_slice %transpose3A {offsets = [512, 0], sizes = [512, 1], strides = [1, 1]} : vector<4096x1xf32> to vector<512x1xf32>
    %le3A_538 = vector.broadcast %slice3A_537 : vector<512x1xf32> to vector<512x512xf32>
    %le3A_539 = vector.broadcast %slice3A_524 : vector<1x512xf32> to vector<512x512xf32>
    %le3A_540 = arith.cmpf ole, %le3A_538, %le3A_539 : vector<512x512xf32>
    %convert_element_type3A_541 = arith.extui %le3A_540 : vector<512x512xi1> to vector<512x512xi32>
    %convert_element_type3A_542 = arith.sitofp %convert_element_type3A_541 : vector<512x512xi32> to vector<512x512xf32>
    %convert_element_type3A_543 = arith.truncf %convert_element_type3A_542 : vector<512x512xf32> to vector<512x512xbf16>
    %dot_general3A_544 = arith.constant dense<0.000000e+00> : vector<1x512xf32>
    %dot_general3A_545 = tpu.matmul %broadcast_in_dim3A_2, %convert_element_type3A_543, %dot_general3A_544 {dimension_numbers = #tpu.dot_dimension_numbers<[1], [0], [0], [1], [0, 0, 1, 1], [], []>, transpose_lhs_hint = false} : vector<1x512xbf16>, vector<512x512xbf16>, vector<1x512xf32> -> vector<1x512xf32>
    %add3A_546 = arith.addf %add3A_536, %dot_general3A_545 : vector<1x512xf32>
    %slice3A_547 = vector.extract_strided_slice %transpose3A {offsets = [1024, 0], sizes = [512, 1], strides = [1, 1]} : vector<4096x1xf32> to vector<512x1xf32>
    %le3A_548 = vector.broadcast %slice3A_547 : vector<512x1xf32> to vector<512x512xf32>
    %le3A_549 = vector.broadcast %slice3A_524 : vector<1x512xf32> to vector<512x512xf32>
    %le3A_550 = arith.cmpf ole, %le3A_548, %le3A_549 : vector<512x512xf32>
    %convert_element_type3A_551 = arith.extui %le3A_550 : vector<512x512xi1> to vector<512x512xi32>
    %convert_element_type3A_552 = arith.sitofp %convert_element_type3A_551 : vector<512x512xi32> to vector<512x512xf32>
    %convert_element_type3A_553 = arith.truncf %convert_element_type3A_552 : vector<512x512xf32> to vector<512x512xbf16>
    %dot_general3A_554 = arith.constant dense<0.000000e+00> : vector<1x512xf32>
    %dot_general3A_555 = tpu.matmul %broadcast_in_dim3A_2, %convert_element_type3A_553, %dot_general3A_554 {dimension_numbers = #tpu.dot_dimension_numbers<[1], [0], [0], [1], [0, 0, 1, 1], [], []>, transpose_lhs_hint = false} : vector<1x512xbf16>, vector<512x512xbf16>, vector<1x512xf32> -> vector<1x512xf32>
    %add3A_556 = arith.addf %add3A_546, %dot_general3A_555 : vector<1x512xf32>
    %slice3A_557 = vector.extract_strided_slice %transpose3A {offsets = [1536, 0], sizes = [512, 1], strides = [1, 1]} : vector<4096x1xf32> to vector<512x1xf32>
    %le3A_558 = vector.broadcast %slice3A_557 : vector<512x1xf32> to vector<512x512xf32>
    %le3A_559 = vector.broadcast %slice3A_524 : vector<1x512xf32> to vector<512x512xf32>
    %le3A_560 = arith.cmpf ole, %le3A_558, %le3A_559 : vector<512x512xf32>
    %convert_element_type3A_561 = arith.extui %le3A_560 : vector<512x512xi1> to vector<512x512xi32>
    %convert_element_type3A_562 = arith.sitofp %convert_element_type3A_561 : vector<512x512xi32> to vector<512x512xf32>
    %convert_element_type3A_563 = arith.truncf %convert_element_type3A_562 : vector<512x512xf32> to vector<512x512xbf16>
    %dot_general3A_564 = arith.constant dense<0.000000e+00> : vector<1x512xf32>
    %dot_general3A_565 = tpu.matmul %broadcast_in_dim3A_2, %convert_element_type3A_563, %dot_general3A_564 {dimension_numbers = #tpu.dot_dimension_numbers<[1], [0], [0], [1], [0, 0, 1, 1], [], []>, transpose_lhs_hint = false} : vector<1x512xbf16>, vector<512x512xbf16>, vector<1x512xf32> -> vector<1x512xf32>
    %add3A_566 = arith.addf %add3A_556, %dot_general3A_565 : vector<1x512xf32>
    %slice3A_567 = vector.extract_strided_slice %transpose3A {offsets = [2048, 0], sizes = [512, 1], strides = [1, 1]} : vector<4096x1xf32> to vector<512x1xf32>
    %le3A_568 = vector.broadcast %slice3A_567 : vector<512x1xf32> to vector<512x512xf32>
    %le3A_569 = vector.broadcast %slice3A_524 : vector<1x512xf32> to vector<512x512xf32>
    %le3A_570 = arith.cmpf ole, %le3A_568, %le3A_569 : vector<512x512xf32>
    %convert_element_type3A_571 = arith.extui %le3A_570 : vector<512x512xi1> to vector<512x512xi32>
    %convert_element_type3A_572 = arith.sitofp %convert_element_type3A_571 : vector<512x512xi32> to vector<512x512xf32>
    %convert_element_type3A_573 = arith.truncf %convert_element_type3A_572 : vector<512x512xf32> to vector<512x512xbf16>
    %dot_general3A_574 = arith.constant dense<0.000000e+00> : vector<1x512xf32>
    %dot_general3A_575 = tpu.matmul %broadcast_in_dim3A_2, %convert_element_type3A_573, %dot_general3A_574 {dimension_numbers = #tpu.dot_dimension_numbers<[1], [0], [0], [1], [0, 0, 1, 1], [], []>, transpose_lhs_hint = false} : vector<1x512xbf16>, vector<512x512xbf16>, vector<1x512xf32> -> vector<1x512xf32>
    %add3A_576 = arith.addf %add3A_566, %dot_general3A_575 : vector<1x512xf32>
    %slice3A_577 = vector.extract_strided_slice %transpose3A {offsets = [2560, 0], sizes = [512, 1], strides = [1, 1]} : vector<4096x1xf32> to vector<512x1xf32>
    %le3A_578 = vector.broadcast %slice3A_577 : vector<512x1xf32> to vector<512x512xf32>
    %le3A_579 = vector.broadcast %slice3A_524 : vector<1x512xf32> to vector<512x512xf32>
    %le3A_580 = arith.cmpf ole, %le3A_578, %le3A_579 : vector<512x512xf32>
    %convert_element_type3A_581 = arith.extui %le3A_580 : vector<512x512xi1> to vector<512x512xi32>
    %convert_element_type3A_582 = arith.sitofp %convert_element_type3A_581 : vector<512x512xi32> to vector<512x512xf32>
    %convert_element_type3A_583 = arith.truncf %convert_element_type3A_582 : vector<512x512xf32> to vector<512x512xbf16>
    %dot_general3A_584 = arith.constant dense<0.000000e+00> : vector<1x512xf32>
    %dot_general3A_585 = tpu.matmul %broadcast_in_dim3A_2, %convert_element_type3A_583, %dot_general3A_584 {dimension_numbers = #tpu.dot_dimension_numbers<[1], [0], [0], [1], [0, 0, 1, 1], [], []>, transpose_lhs_hint = false} : vector<1x512xbf16>, vector<512x512xbf16>, vector<1x512xf32> -> vector<1x512xf32>
    %add3A_586 = arith.addf %add3A_576, %dot_general3A_585 : vector<1x512xf32>
    %slice3A_587 = vector.extract_strided_slice %transpose3A {offsets = [3072, 0], sizes = [512, 1], strides = [1, 1]} : vector<4096x1xf32> to vector<512x1xf32>
    %lt3A_588 = vector.broadcast %slice3A_587 : vector<512x1xf32> to vector<512x512xf32>
    %lt3A_589 = vector.broadcast %slice3A_524 : vector<1x512xf32> to vector<512x512xf32>
    %lt3A_590 = arith.cmpf olt, %lt3A_588, %lt3A_589 : vector<512x512xf32>
    %eq3A_591 = vector.broadcast %slice3A_587 : vector<512x1xf32> to vector<512x512xf32>
    %eq3A_592 = vector.broadcast %slice3A_524 : vector<1x512xf32> to vector<512x512xf32>
    %eq3A_593 = arith.cmpf oeq, %eq3A_591, %eq3A_592 : vector<512x512xf32>
    %and3A_594 = arith.andi %eq3A_593, %lt3A : vector<512x512xi1>
    %or3A_595 = arith.ori %lt3A_590, %and3A_594 : vector<512x512xi1>
    %convert_element_type3A_596 = arith.extui %or3A_595 : vector<512x512xi1> to vector<512x512xi32>
    %convert_element_type3A_597 = arith.sitofp %convert_element_type3A_596 : vector<512x512xi32> to vector<512x512xf32>
    %convert_element_type3A_598 = arith.truncf %convert_element_type3A_597 : vector<512x512xf32> to vector<512x512xbf16>
    %dot_general3A_599 = arith.constant dense<0.000000e+00> : vector<1x512xf32>
    %dot_general3A_600 = tpu.matmul %broadcast_in_dim3A_2, %convert_element_type3A_598, %dot_general3A_599 {dimension_numbers = #tpu.dot_dimension_numbers<[1], [0], [0], [1], [0, 0, 1, 1], [], []>, transpose_lhs_hint = false} : vector<1x512xbf16>, vector<512x512xbf16>, vector<1x512xf32> -> vector<1x512xf32>
    %add3A_601 = arith.addf %add3A_586, %dot_general3A_600 : vector<1x512xf32>
    %slice3A_602 = vector.extract_strided_slice %transpose3A {offsets = [3584, 0], sizes = [512, 1], strides = [1, 1]} : vector<4096x1xf32> to vector<512x1xf32>
    %lt3A_603 = vector.broadcast %slice3A_602 : vector<512x1xf32> to vector<512x512xf32>
    %lt3A_604 = vector.broadcast %slice3A_524 : vector<1x512xf32> to vector<512x512xf32>
    %lt3A_605 = arith.cmpf olt, %lt3A_603, %lt3A_604 : vector<512x512xf32>
    %convert_element_type3A_606 = arith.extui %lt3A_605 : vector<512x512xi1> to vector<512x512xi32>
    %convert_element_type3A_607 = arith.sitofp %convert_element_type3A_606 : vector<512x512xi32> to vector<512x512xf32>
    %convert_element_type3A_608 = arith.truncf %convert_element_type3A_607 : vector<512x512xf32> to vector<512x512xbf16>
    %dot_general3A_609 = arith.constant dense<0.000000e+00> : vector<1x512xf32>
    %dot_general3A_610 = tpu.matmul %broadcast_in_dim3A_2, %convert_element_type3A_608, %dot_general3A_609 {dimension_numbers = #tpu.dot_dimension_numbers<[1], [0], [0], [1], [0, 0, 1, 1], [], []>, transpose_lhs_hint = false} : vector<1x512xbf16>, vector<512x512xbf16>, vector<1x512xf32> -> vector<1x512xf32>
    %add3A_611 = arith.addf %add3A_601, %dot_general3A_610 : vector<1x512xf32>
    %slice3A_612 = vector.extract_strided_slice %get3A_1 {offsets = [0, 3584], sizes = [1, 512], strides = [1, 1]} : vector<1x4096xf32> to vector<1x512xf32>
    %broadcast_in_dim3A_613 = arith.constant 0.000000e+00 : f32
    %broadcast_in_dim3A_614 = vector.broadcast %broadcast_in_dim3A_613 : f32 to vector<1x512xf32>
    %slice3A_615 = vector.extract_strided_slice %transpose3A {offsets = [0, 0], sizes = [512, 1], strides = [1, 1]} : vector<4096x1xf32> to vector<512x1xf32>
    %le3A_616 = vector.broadcast %slice3A_615 : vector<512x1xf32> to vector<512x512xf32>
    %le3A_617 = vector.broadcast %slice3A_612 : vector<1x512xf32> to vector<512x512xf32>
    %le3A_618 = arith.cmpf ole, %le3A_616, %le3A_617 : vector<512x512xf32>
    %convert_element_type3A_619 = arith.extui %le3A_618 : vector<512x512xi1> to vector<512x512xi32>
    %convert_element_type3A_620 = arith.sitofp %convert_element_type3A_619 : vector<512x512xi32> to vector<512x512xf32>
    %convert_element_type3A_621 = arith.truncf %convert_element_type3A_620 : vector<512x512xf32> to vector<512x512xbf16>
    %dot_general3A_622 = arith.constant dense<0.000000e+00> : vector<1x512xf32>
    %dot_general3A_623 = tpu.matmul %broadcast_in_dim3A_2, %convert_element_type3A_621, %dot_general3A_622 {dimension_numbers = #tpu.dot_dimension_numbers<[1], [0], [0], [1], [0, 0, 1, 1], [], []>, transpose_lhs_hint = false} : vector<1x512xbf16>, vector<512x512xbf16>, vector<1x512xf32> -> vector<1x512xf32>
    %add3A_624 = arith.addf %broadcast_in_dim3A_614, %dot_general3A_623 : vector<1x512xf32>
    %slice3A_625 = vector.extract_strided_slice %transpose3A {offsets = [512, 0], sizes = [512, 1], strides = [1, 1]} : vector<4096x1xf32> to vector<512x1xf32>
    %le3A_626 = vector.broadcast %slice3A_625 : vector<512x1xf32> to vector<512x512xf32>
    %le3A_627 = vector.broadcast %slice3A_612 : vector<1x512xf32> to vector<512x512xf32>
    %le3A_628 = arith.cmpf ole, %le3A_626, %le3A_627 : vector<512x512xf32>
    %convert_element_type3A_629 = arith.extui %le3A_628 : vector<512x512xi1> to vector<512x512xi32>
    %convert_element_type3A_630 = arith.sitofp %convert_element_type3A_629 : vector<512x512xi32> to vector<512x512xf32>
    %convert_element_type3A_631 = arith.truncf %convert_element_type3A_630 : vector<512x512xf32> to vector<512x512xbf16>
    %dot_general3A_632 = arith.constant dense<0.000000e+00> : vector<1x512xf32>
    %dot_general3A_633 = tpu.matmul %broadcast_in_dim3A_2, %convert_element_type3A_631, %dot_general3A_632 {dimension_numbers = #tpu.dot_dimension_numbers<[1], [0], [0], [1], [0, 0, 1, 1], [], []>, transpose_lhs_hint = false} : vector<1x512xbf16>, vector<512x512xbf16>, vector<1x512xf32> -> vector<1x512xf32>
    %add3A_634 = arith.addf %add3A_624, %dot_general3A_633 : vector<1x512xf32>
    %slice3A_635 = vector.extract_strided_slice %transpose3A {offsets = [1024, 0], sizes = [512, 1], strides = [1, 1]} : vector<4096x1xf32> to vector<512x1xf32>
    %le3A_636 = vector.broadcast %slice3A_635 : vector<512x1xf32> to vector<512x512xf32>
    %le3A_637 = vector.broadcast %slice3A_612 : vector<1x512xf32> to vector<512x512xf32>
    %le3A_638 = arith.cmpf ole, %le3A_636, %le3A_637 : vector<512x512xf32>
    %convert_element_type3A_639 = arith.extui %le3A_638 : vector<512x512xi1> to vector<512x512xi32>
    %convert_element_type3A_640 = arith.sitofp %convert_element_type3A_639 : vector<512x512xi32> to vector<512x512xf32>
    %convert_element_type3A_641 = arith.truncf %convert_element_type3A_640 : vector<512x512xf32> to vector<512x512xbf16>
    %dot_general3A_642 = arith.constant dense<0.000000e+00> : vector<1x512xf32>
    %dot_general3A_643 = tpu.matmul %broadcast_in_dim3A_2, %convert_element_type3A_641, %dot_general3A_642 {dimension_numbers = #tpu.dot_dimension_numbers<[1], [0], [0], [1], [0, 0, 1, 1], [], []>, transpose_lhs_hint = false} : vector<1x512xbf16>, vector<512x512xbf16>, vector<1x512xf32> -> vector<1x512xf32>
    %add3A_644 = arith.addf %add3A_634, %dot_general3A_643 : vector<1x512xf32>
    %slice3A_645 = vector.extract_strided_slice %transpose3A {offsets = [1536, 0], sizes = [512, 1], strides = [1, 1]} : vector<4096x1xf32> to vector<512x1xf32>
    %le3A_646 = vector.broadcast %slice3A_645 : vector<512x1xf32> to vector<512x512xf32>
    %le3A_647 = vector.broadcast %slice3A_612 : vector<1x512xf32> to vector<512x512xf32>
    %le3A_648 = arith.cmpf ole, %le3A_646, %le3A_647 : vector<512x512xf32>
    %convert_element_type3A_649 = arith.extui %le3A_648 : vector<512x512xi1> to vector<512x512xi32>
    %convert_element_type3A_650 = arith.sitofp %convert_element_type3A_649 : vector<512x512xi32> to vector<512x512xf32>
    %convert_element_type3A_651 = arith.truncf %convert_element_type3A_650 : vector<512x512xf32> to vector<512x512xbf16>
    %dot_general3A_652 = arith.constant dense<0.000000e+00> : vector<1x512xf32>
    %dot_general3A_653 = tpu.matmul %broadcast_in_dim3A_2, %convert_element_type3A_651, %dot_general3A_652 {dimension_numbers = #tpu.dot_dimension_numbers<[1], [0], [0], [1], [0, 0, 1, 1], [], []>, transpose_lhs_hint = false} : vector<1x512xbf16>, vector<512x512xbf16>, vector<1x512xf32> -> vector<1x512xf32>
    %add3A_654 = arith.addf %add3A_644, %dot_general3A_653 : vector<1x512xf32>
    %slice3A_655 = vector.extract_strided_slice %transpose3A {offsets = [2048, 0], sizes = [512, 1], strides = [1, 1]} : vector<4096x1xf32> to vector<512x1xf32>
    %le3A_656 = vector.broadcast %slice3A_655 : vector<512x1xf32> to vector<512x512xf32>
    %le3A_657 = vector.broadcast %slice3A_612 : vector<1x512xf32> to vector<512x512xf32>
    %le3A_658 = arith.cmpf ole, %le3A_656, %le3A_657 : vector<512x512xf32>
    %convert_element_type3A_659 = arith.extui %le3A_658 : vector<512x512xi1> to vector<512x512xi32>
    %convert_element_type3A_660 = arith.sitofp %convert_element_type3A_659 : vector<512x512xi32> to vector<512x512xf32>
    %convert_element_type3A_661 = arith.truncf %convert_element_type3A_660 : vector<512x512xf32> to vector<512x512xbf16>
    %dot_general3A_662 = arith.constant dense<0.000000e+00> : vector<1x512xf32>
    %dot_general3A_663 = tpu.matmul %broadcast_in_dim3A_2, %convert_element_type3A_661, %dot_general3A_662 {dimension_numbers = #tpu.dot_dimension_numbers<[1], [0], [0], [1], [0, 0, 1, 1], [], []>, transpose_lhs_hint = false} : vector<1x512xbf16>, vector<512x512xbf16>, vector<1x512xf32> -> vector<1x512xf32>
    %add3A_664 = arith.addf %add3A_654, %dot_general3A_663 : vector<1x512xf32>
    %slice3A_665 = vector.extract_strided_slice %transpose3A {offsets = [2560, 0], sizes = [512, 1], strides = [1, 1]} : vector<4096x1xf32> to vector<512x1xf32>
    %le3A_666 = vector.broadcast %slice3A_665 : vector<512x1xf32> to vector<512x512xf32>
    %le3A_667 = vector.broadcast %slice3A_612 : vector<1x512xf32> to vector<512x512xf32>
    %le3A_668 = arith.cmpf ole, %le3A_666, %le3A_667 : vector<512x512xf32>
    %convert_element_type3A_669 = arith.extui %le3A_668 : vector<512x512xi1> to vector<512x512xi32>
    %convert_element_type3A_670 = arith.sitofp %convert_element_type3A_669 : vector<512x512xi32> to vector<512x512xf32>
    %convert_element_type3A_671 = arith.truncf %convert_element_type3A_670 : vector<512x512xf32> to vector<512x512xbf16>
    %dot_general3A_672 = arith.constant dense<0.000000e+00> : vector<1x512xf32>
    %dot_general3A_673 = tpu.matmul %broadcast_in_dim3A_2, %convert_element_type3A_671, %dot_general3A_672 {dimension_numbers = #tpu.dot_dimension_numbers<[1], [0], [0], [1], [0, 0, 1, 1], [], []>, transpose_lhs_hint = false} : vector<1x512xbf16>, vector<512x512xbf16>, vector<1x512xf32> -> vector<1x512xf32>
    %add3A_674 = arith.addf %add3A_664, %dot_general3A_673 : vector<1x512xf32>
    %slice3A_675 = vector.extract_strided_slice %transpose3A {offsets = [3072, 0], sizes = [512, 1], strides = [1, 1]} : vector<4096x1xf32> to vector<512x1xf32>
    %le3A_676 = vector.broadcast %slice3A_675 : vector<512x1xf32> to vector<512x512xf32>
    %le3A_677 = vector.broadcast %slice3A_612 : vector<1x512xf32> to vector<512x512xf32>
    %le3A_678 = arith.cmpf ole, %le3A_676, %le3A_677 : vector<512x512xf32>
    %convert_element_type3A_679 = arith.extui %le3A_678 : vector<512x512xi1> to vector<512x512xi32>
    %convert_element_type3A_680 = arith.sitofp %convert_element_type3A_679 : vector<512x512xi32> to vector<512x512xf32>
    %convert_element_type3A_681 = arith.truncf %convert_element_type3A_680 : vector<512x512xf32> to vector<512x512xbf16>
    %dot_general3A_682 = arith.constant dense<0.000000e+00> : vector<1x512xf32>
    %dot_general3A_683 = tpu.matmul %broadcast_in_dim3A_2, %convert_element_type3A_681, %dot_general3A_682 {dimension_numbers = #tpu.dot_dimension_numbers<[1], [0], [0], [1], [0, 0, 1, 1], [], []>, transpose_lhs_hint = false} : vector<1x512xbf16>, vector<512x512xbf16>, vector<1x512xf32> -> vector<1x512xf32>
    %add3A_684 = arith.addf %add3A_674, %dot_general3A_683 : vector<1x512xf32>
    %slice3A_685 = vector.extract_strided_slice %transpose3A {offsets = [3584, 0], sizes = [512, 1], strides = [1, 1]} : vector<4096x1xf32> to vector<512x1xf32>
    %lt3A_686 = vector.broadcast %slice3A_685 : vector<512x1xf32> to vector<512x512xf32>
    %lt3A_687 = vector.broadcast %slice3A_612 : vector<1x512xf32> to vector<512x512xf32>
    %lt3A_688 = arith.cmpf olt, %lt3A_686, %lt3A_687 : vector<512x512xf32>
    %eq3A_689 = vector.broadcast %slice3A_685 : vector<512x1xf32> to vector<512x512xf32>
    %eq3A_690 = vector.broadcast %slice3A_612 : vector<1x512xf32> to vector<512x512xf32>
    %eq3A_691 = arith.cmpf oeq, %eq3A_689, %eq3A_690 : vector<512x512xf32>
    %and3A_692 = arith.andi %eq3A_691, %lt3A : vector<512x512xi1>
    %or3A_693 = arith.ori %lt3A_688, %and3A_692 : vector<512x512xi1>
    %convert_element_type3A_694 = arith.extui %or3A_693 : vector<512x512xi1> to vector<512x512xi32>
    %convert_element_type3A_695 = arith.sitofp %convert_element_type3A_694 : vector<512x512xi32> to vector<512x512xf32>
    %convert_element_type3A_696 = arith.truncf %convert_element_type3A_695 : vector<512x512xf32> to vector<512x512xbf16>
    %dot_general3A_697 = arith.constant dense<0.000000e+00> : vector<1x512xf32>
    %dot_general3A_698 = tpu.matmul %broadcast_in_dim3A_2, %convert_element_type3A_696, %dot_general3A_697 {dimension_numbers = #tpu.dot_dimension_numbers<[1], [0], [0], [1], [0, 0, 1, 1], [], []>, transpose_lhs_hint = false} : vector<1x512xbf16>, vector<512x512xbf16>, vector<1x512xf32> -> vector<1x512xf32>
    %add3A_699 = arith.addf %add3A_684, %dot_general3A_698 : vector<1x512xf32>
    %concatenate3A = tpu.concatenate %add3A_84, %add3A_171, %add3A_259, %add3A_347, %add3A_435, %add3A_523, %add3A_611, %add3A_699 in 1 : vector<1x512xf32>, vector<1x512xf32>, vector<1x512xf32>, vector<1x512xf32>, vector<1x512xf32>, vector<1x512xf32>, vector<1x512xf32>, vector<1x512xf32> -> vector<1x4096xf32>
    %convert_element_type3A_700 = arith.fptosi %concatenate3A : vector<1x4096xf32> to vector<1x4096xi32>
    %reshape3A = vector.shape_cast %convert_element_type3A_700 : vector<1x4096xi32> to vector<32x128xi32>
    %iota3A_701 = tpu.iota {dimensions = array<i32: 0>} : vector<32x1x1xi32>
    %mul3A = arith.constant 4096 : i32
    %mul3A_702 = vector.broadcast %mul3A : i32 to vector<32x1x1xi32>
    %mul3A_703 = arith.muli %iota3A_701, %mul3A_702 : vector<32x1x1xi32>
    %broadcast_in_dim3A_704 = vector.shape_cast %reshape3A : vector<32x128xi32> to vector<1x32x128xi32>
    %add3A_705 = vector.broadcast %broadcast_in_dim3A_704 : vector<1x32x128xi32> to vector<32x32x128xi32>
    %add3A_706 = vector.broadcast %mul3A_703 : vector<32x1x1xi32> to vector<32x32x128xi32>
    %add3A_707 = arith.addi %add3A_705, %add3A_706 : vector<32x32x128xi32>
    %swap3A = arith.constant 0 : index
    %swap3A_708 = arith.constant 0 : index
    %swap3A_709 = arith.constant 0 : index
    %swap3A_710 = vector.load %arg1[%swap3A, %swap3A_708, %swap3A_709] : memref<32x32x128xi32, #tpu.memory_space<vmem>>, vector<32x32x128xi32>
    tpu.vector_store %arg1[%swap3A, %swap3A_708, %swap3A_709], %add3A_707 {strides = array<i32>} : memref<32x32x128xi32, #tpu.memory_space<vmem>>, vector<32x32x128xi32>,
    return
  }
}

</mosaic_0001>

<sc_bundles>
// kernel: kernel.4.cloned.1.call-start
scs
__scs_entry_jumppad:
0x0: {  	(pc) =	sbr.rel $0x88, $3  }
0x1: {  	(tag) =	ssettag $0x0;
	lr =	simm.s32 $0x1  }
0x2: {  	[smem:$0x3F9F] =	sst lr;
	_ =	strace $0xD0000000  }
0x3: {  	_ = 	snop  }
0x4: {  	_ = 	snop  }
0x5: {  	_ = 	snop  }
0x6: {  	_ = 	snop  }
0x7: {  	_ = 	snop  }
__scs_overlays_trampoline_lowered:
0x8: {  	[smem:$0x3FAE] =	sst s0  }
0x9: {  	[smem:$0x3FAF] =	sst s1  }
0xa: {  	[smem:$0x3FB0] =	sst s2  }
0xb: {  	[smem:$0x3FB1] =	sst s3  }
0xc: {  	[smem:$0x3FB2] =	sst s4  }
0xd: {  	[smem:$0x3FB3] =	sst s5  }
0xe: {  	[smem:$0x3FB4] =	sst s6  }
0xf: {  	[smem:$0x3FB5] =	sst s7  }
0x10: {  	[smem:$0x3FB6] =	sst s8  }
0x11: {  	[smem:$0x3FB7] =	sst s9;
	s0 =	simm.s32 @!p0 $0x0  }
0x12: {  	s1 =	sld [smem:$0x3F9D];
	s0 =	simm.s32 @p0 $0x1  }
0x13: {  	[smem:$0x3FB8] =	sst s0;
	s0 =	simm.s32 @!p1 $0x0  }
0x14: {  	s2 =	sld [smem:$0x3F9C];
	s0 =	simm.s32 @p1 $0x1  }
0x15: {  	[smem:$0x3FB9] =	sst s0;
	s0 =	simm.s32 @!p2 $0x0  }
0x16: {  	s3 =	sld [smem:$0x3FDB];
	s0 =	simm.s32 @p2 $0x1  }
0x17: {  	s4 =	simm.s32 $0x1BF5;
	[smem:$0x3FBB] =	sst s0  }
0x18: {  	s0 =	sld [smem:$0x3F9E];
	_ =	swait.ge [sflag:s4], $0x0  }
0x19: {  	s7 =	sld [smem:$0x3F9F]  }
0x1a: {  	s8 =	sadd.s32 $0xFFFFE003, lr  }
0x1b: {  	s9 =	sadd.s32 $0xFFFFFEF7, lr;
	s5 =	simm.s32 $0xFFFFFFFF;
	p2 =	slt.u32 s8, $0xFFFFF086  }
0x1c: {  	p1 =	slt.u32 s9, $0xF7A;
	s5 =	simm.s32 @!p2 $0x0  }
0x1d: {  	s5 =	simm.s32 @p1 $0x1;
	p0 =	seq.s32 s7, s2  }
0x1e: {  	s7 =	smul.u32 @!p0 $0xF7A, s2;
	p2 =	seq.s32 @!p0 s5, $0x0  }
0x1f: {  	s9 =	smul.u32 $0xF7A, s1;
	s8 =	simm.s32 @!p0 $0x1BF5;
	p2 =	por !p2, p0  }
0x20: {  	[sflag:s8] =	ssyncset.s32 @!p0 $0xFFFFF086;
	s6 =	sadd.s32 @!p0 s3, s7;
	s7 =	simm.s32 @!p0 $0x108  }
0x21: {  	s3 =	sadd.s32 s3, s9;
	s6 =	sadd.s32 @!p0 $0x88, s6;
	s7 =	simm.s32 @p2 $0x1082  }
0x22: {  	[simem:s7], [sflag:s8] =	dma.local @!p0 [hbm:s6], $0xF7A  }
0x23: {  	s9 =	sor.u32 $0xD0000000, s2;
	s6 =	simm.s32 $0x108;
	_ =	swait.ge @!p0 [sflag:s8], $0x0  }
0x24: {  	s3 =	sadd.s32 $0x88, s3;
	s6 =	simm.s32 @!p1 $0x1082;
	[sflag:s4] =	ssyncset.s32 $0xFFFFF086  }
0x25: {  	[simem:s6], [sflag:s4] =	dma.local [hbm:s3], $0xF7A  }
0x26: {  	[smem:$0x3F9F] =	sst s1;
	(tag) =	ssettag s2;
	_ =	strace s9  }
0x27: {  	s1 =	sld [smem:$0x3FAF]  }
0x28: {  	s2 =	sld [smem:$0x3FB0]  }
0x29: {  	s4 =	sld [smem:$0x3FB2]  }
0x2a: {  	p0 =	seq.s32 s5, $0x0;
	s5 =	sld [smem:$0x3FB3]  }
0x2b: {  	s6 =	sld [smem:$0x3FB4]  }
0x2c: {  	s7 =	sld [smem:$0x3FB5]  }
0x2d: {  	s3 =	simm.s32 $0x108;
	s8 =	sld [smem:$0x3FB6]  }
0x2e: {  	s3 =	simm.s32 @!p0 $0x1082;
	s9 =	sld [smem:$0x3FB7]  }
0x2f: {  	lr =	sadd.s32 s0, s3;
	s0 =	sld [smem:$0x3FAE]  }
0x30: {  	s3 =	sld [smem:$0x3FB1]  }
0x31: {  	[smem:$0x3FBA] =	sst s10  }
0x32: {  	s10 =	sld [smem:$0x3FB8];
	_ =	sdelay $0x3  }
0x33: {  	p0 =	seq.s32 s10, $0x1;
	s10 =	sld [smem:$0x3FBA];
	_ =	sdelay $0x3  }
0x34: {  	[smem:$0x3FBA] =	sst s10  }
0x35: {  	s10 =	sld [smem:$0x3FB9];
	_ =	sdelay $0x3  }
0x36: {  	p1 =	seq.s32 s10, $0x1;
	s10 =	sld [smem:$0x3FBA];
	_ =	sdelay $0x3  }
0x37: {  	[smem:$0x3FBA] =	sst s10  }
0x38: {  	s10 =	sld [smem:$0x3FBB]  }
0x39: {  	_ = 	snop;
	(pc) =	sbr.ind lr, $3  }
0x3a: {  	_ = 	snop  }
0x3b: {  	_ = 	snop  }
0x3c: {  	p2 =	seq.s32 s10, $0x1;
	s10 =	sld [smem:$0x3FBA]  }
0x3d: {  	_ =	shalt  }
0x3e: {  	_ =	shalt  }
0x3f: {  	_ =	shalt  }
0x40: {  	_ =	shalt  }
0x41: {  	_ =	shalt  }
0x42: {  	_ =	shalt  }
0x43: {  	_ =	shalt  }
0x44: {  	_ =	shalt  }
0x45: {  	_ =	shalt  }
0x46: {  	_ =	shalt  }
0x47: {  	_ =	shalt  }
0x48: {  	_ =	shalt  }
0x49: {  	_ =	shalt  }
0x4a: {  	_ =	shalt  }
0x4b: {  	_ =	shalt  }
0x4c: {  	_ =	shalt  }
0x4d: {  	_ =	shalt  }
0x4e: {  	_ =	shalt  }
0x4f: {  	_ =	shalt  }
0x50: {  	_ =	shalt  }
0x51: {  	_ =	shalt  }
0x52: {  	_ =	shalt  }
0x53: {  	_ =	shalt  }
0x54: {  	_ =	shalt  }
0x55: {  	_ =	shalt  }
0x56: {  	_ =	shalt  }
0x57: {  	_ =	shalt  }
0x58: {  	_ =	shalt  }
0x59: {  	_ =	shalt  }
0x5a: {  	_ =	shalt  }
0x5b: {  	_ =	shalt  }
0x5c: {  	_ =	shalt  }
0x5d: {  	_ =	shalt  }
0x5e: {  	_ =	shalt  }
0x5f: {  	_ =	shalt  }
0x60: {  	_ =	shalt  }
0x61: {  	_ =	shalt  }
0x62: {  	_ =	shalt  }
0x63: {  	_ =	shalt  }
0x64: {  	_ =	shalt  }
0x65: {  	_ =	shalt  }
0x66: {  	_ =	shalt  }
0x67: {  	_ =	shalt  }
0x68: {  	_ =	shalt  }
0x69: {  	_ =	shalt  }
0x6a: {  	_ =	shalt  }
0x6b: {  	_ =	shalt  }
0x6c: {  	_ =	shalt  }
0x6d: {  	_ =	shalt  }
0x6e: {  	_ =	shalt  }
0x6f: {  	_ =	shalt  }
0x70: {  	_ =	shalt  }
0x71: {  	_ =	shalt  }
0x72: {  	_ =	shalt  }
0x73: {  	_ =	shalt  }
0x74: {  	_ =	shalt  }
0x75: {  	_ =	shalt  }
0x76: {  	_ =	shalt  }
0x77: {  	_ =	shalt  }
0x78: {  	_ =	shalt  }
0x79: {  	_ =	shalt  }
0x7a: {  	_ =	shalt  }
0x7b: {  	_ =	shalt  }
0x7c: {  	_ =	shalt  }
0x7d: {  	_ =	shalt  }
0x7e: {  	_ =	shalt  }
0x7f: {  	_ =	shalt  }
0x80: {  	_ =	shalt  }
0x81: {  	_ =	shalt  }
0x82: {  	_ =	shalt  }
0x83: {  	_ =	shalt  }
0x84: {  	_ =	shalt  }
0x85: {  	_ =	shalt  }
0x86: {  	_ =	shalt  }
0x87: {  	_ =	shalt  }
.Lfunc_end0:
.L_simem_size_0:
called_computation_lowered:
.L_overlay_start_0:
0x88: {  	s2 =	sld [smem:$0x3FD9]  }
0x89: {  	s3 =	sld [smem:$0x3FFE];
	_ =	sdelay $0x1  }
0x8a: {  	s1 =	srdreg.scid  }
0x8b: {  	s0 =	sand.u32 $0x1, s1  }
0x8c: {  	s17 =	sshll.u32 s0, $0xA;
	s2 =	sadd.s32 s3, s2  }
0x8d: {  	s2 =	sadd.s32 s2, s17  }
0x8e: {  	[smem:$0x3FC6] =	sst s2  }
0x8f: {  	_ = 	snop  }
0x90: {  	s2 =	sld [smem:$0x3FC8]  }
0x91: {  	s18 =	sld [smem:$0x3FD0];
	(tm) =	ssettm $0x1  }
0x92: {  	s4 =	sld [smem:$0x3FFB];
	_ =	sdelay $0x3  }
0x93: {  	_ =	strace s4  }
0x94: {  	s4 =	sld [smem:$0x3FFC];
	_ =	sdelay $0x3  }
0x95: {  	_ =	strace s4  }
0x96: {  	s4 =	sld [smem:$0x3FFD];
	_ =	sdelay $0x3  }
0x97: {  	_ =	strace s4  }
0x98: {  	_ =	strace $0x8FFFFFFF  }
0x99: {  	s19 =	sld [smem:$0x3FDB];
	_ =	sdelay $0x1  }
0x9a: {  	s5 =	simm.s32 $_scs_section_size  }
0x9b: {  	s6 =	simm.s32 $_size__tile_overlayer_lowered;
	s7 =	simm.s32 $_tile_overlayer_lowered  }
0x9c: {  	s22 =	simm.s32 $0x1BFF;
	s21 =	sshll.u32 s7, $0x1;
	s4 =	sadd.s32 s5, s19  }
0x9d: {  	s8 =	simm.s32 $0x0;
	s20 =	sshll.u32 s6, $0x1;
	s6 =	sadd.s32 s21, s4  }
0x9e: {  	[timem:s8], [sflag:s22] =	dma.local [hbm:s6], s20  }
0x9f: {  	_ =	swait.ge [sflag:s22], s20  }
0xa0: {  	s5 =	ssub.s32 $0x0, s20;
	[sflag:s22] =	ssyncset.done $0x0  }
0xa1: {  	[sflag:s22] =	ssyncadd.s32 s5;
	_ =	sdelay $0x1  }
0xa2: {  	s23 =	simm.s32 $0x1B8B  }
0xa3: {  	_ =	swait.ge [sflag:s23], $0x1  }
0xa4: {  	[sflag:s23] =	ssyncset.done $0x0  }
0xa5: {  	s25 =	simm.s32 $0x1B8E;
	s24 =	sld [smem:$0x3FFE];
	[sflag:s23] =	ssyncadd.s32 $0xFFFFFFFF  }
0xa6: {  	s26 =	simm.s32 $execute0_lowered;
	[smem:$0x3FD2] =	sst s25  }
0xa7: {  	s6 =	sshll.u32 s26, $0x1;
	_ =	strace $0x80000046;
	[dreg:$0x1] =	wrdreg $0xFFFFFFFF  }
0xa8: {  	s28 =	simm.s32 $_size_execute0_lowered;
	s4 =	sadd.s32 s4, s6;
	[dreg:$0x0] =	wrdreg $0x0  }
0xa9: {  	s6 =	sshll.u32 s28, $0x1;
	[dreg:$0x2] =	wrdreg s4  }
0xaa: {  	[dreg:$0x3] =	wrdreg s6  }
0xab: {  	[dreg:$0x4] =	wrdreg $0xC0  }
0xac: {  	_ =	task [dreg:s8], $0x5FFFF  }
0xad: {  	[dreg:$0x1] =	wrdreg $0xFFFFFFFF  }
0xae: {  	[dreg:$0x0] =	wrdreg $0x60  }
0xaf: {  	[dreg:$0x2] =	wrdreg s2  }
0xb0: {  	[dreg:$0x3] =	wrdreg s24  }
0xb1: {  	[dreg:$0x4] =	wrdreg s18  }
0xb2: {  	[dreg:$0x5] =	wrdreg $0x9  }
0xb3: {  	_ =	task.clear_ibuf [dreg:s8], $0x6FFFF;
	_ =	strace $0x90000046  }
0xb4: {  	s29 =	simm.s32 $0x9;
	_ =	strace $0x80000048  }
0xb5: {  	_ =	swait.ge [sflag:s29], $0x1  }
0xb6: {  	[sflag:s29] =	ssyncadd.s32 $0xFFFFFFFF  }
0xb7: {  	_ =	strace $0x90000048  }
0xb8: {  	_ =	sfence  }
0xb9: {  	s30 =	sld [smem:$0x0];
	_ =	sdelay $0x2  }
0xba: {  	s31 =	sshll.u32 s1, $0xD;
	s1 =	sshrl.u32 s1, $0x2  }
0xbb: {  	s3 =	sand.u32 $0x4000, s31;
	s1 =	sadd.s32 s1, s30  }
0xbc: {  	s0 =	sor.u32 s3, s0;
	s1 =	sshll.u32 s1, $0x11  }
0xbd: {  	s0 =	sor.u32 s1, s0  }
0xbe: {  	s0 =	sadd.s32 $0x8F2B, s0  }
0xbf: {  	[sflag:s0] =	ssyncadd.remote.s32 $0x1  }
0xc0: {  	_ =	sfence.sel $0xFFFF  }
0xc1: {  	[dreg:$0x0] =	wrdreg $0xFFFFFFFF;
	(pc) =	sbr.abs _section_cstart, $3  }
0xc2: {  	[dreg:$0x1] =	wrdreg $0xFFFFFFFF  }
0xc3: {  	_ =	task.clear_ibuf [dreg:s8], $0x2FFFF;
	_ =	strace $0x9FFFFFFF  }
0xc4: {  	(tm) =	ssettm $0x7FFFFFFF  }
0xc5: {  	_ =	shalt  }
tec
execute0_lowered:
.L_overlay_start_1:
0x0: {  	(tag) =	ssettag $0x1  }
0x1: {  	s0 =	rddreg [dreg:$0x0]  }
0x2: {  	s1 =	rddreg [dreg:$0x1]  }
0x3: {  	s2 =	rddreg [dreg:$0x2];
	s3 =	srdreg.scid  }
0x4: {  	s10 =	stileid.u32;
	s11 =	simm.s32 $0x9;
	s12 =	simm.s32 $0x1000  }
0x5: {  	s13 =	simm.s32 $0x5000;
	s14 =	simm.s32 $0x9000;
	s15 =	simm.s32 $0xD000  }
0x6: {  	s16 =	simm.s32 $0x1;
	s17 =	simm.s32 $0x80;
	s18 =	simm.s32 $0x2  }
0x7: {  	s19 =	simm.s32 $0x3;
	s20 =	simm.s32 $0x4;
	s21 =	simm.s32 $0x5  }
0x8: {  	s22 =	simm.s32 $0x6;
	s23 =	simm.s32 $0x7;
	s28 =	simm.s32 $0xF00  }
0x9: {  	s29 =	simm.s32 $0xF80;
	s30 =	simm.s32 $0x0;
	s7 =	sand.u32 $0x1, s3  }
0xa: {  	s3 =	simm.s32 $0x0;
	s4 =	sshll.u32 s10, $0xD;
	s26 =	sshll.u32 s10, $0x11  }
0xb: {  	s5 =	sshll.u32 s7, $0xC;
	[smem:$0x7FF] =	sst s3;
	s24 =	ssub.s32 $0x2, s7  }
0xc: {  	s31 =	sshll.u32 s7, $0x10;
	s4 =	sor.u32 s5, s4;
	s8 =	sshrl.u32 s24, $0x1  }
0xd: {  	_ =	strace $0x80000047;
	s6 =	sshrl.u32 s4, $0x3;
	s9 =	ssub.s32 s24, s8  }
0xe: {  	s25 =	sshll.u32 s4, $0x4;
	s24 =	simm.s32 $0x8;
	s1 =	sadd.s32 s6, s1  }
0xf: {  	s5 =	sadd.s32 s0, s25;
	s0 =	sadd.s32 s26, s0;
	s9 =	smax.u32 s9, $0x1  }
0x10: {  	s4 =	sadd.s32 $0x800, s1;
	s6 =	sadd.s32 $0x800, s5;
	s0 =	sadd.s32 s31, s0  }
0x11: {  	s7 =	sadd.s32 $0x1000, s5;
	s8 =	sadd.s32 $0x1800, s5;
	s1 =	sadd.s32 $0x3800, s0  }
.LBB2_1:
0x12: {  	[tilespmem:s3], [sflag:$0x9] =	stream.linear.gather [hbm4b:s4+s3], $0x1000, $0x38;
	[tilespmem:$0x11000] =	vst v63  }
0x13: {  	_ =	swait.ge [sflag:s11], $0x1000  }
0x14: {  	[sflag:s11] =	ssyncset.done $0x0  }
0x15: {  	[sflag:s11] =	ssyncadd.s32 $0xFFFFF000  }
0x16: {  	[tilespmem:s12], [sflag:$0x1] =	stream.linear.gather [hbm4b:s5+s3], $0x4000, $0x38;
	[tilespmem:$0x11000] =	vst v63  }
0x17: {  	_ = 	snop  }
0x18: {  	[tilespmem:s13], [sflag:$0x2] =	stream.linear.gather [hbm4b:s6+s3], $0x4000, $0x38;
	[tilespmem:$0x11000] =	vst v63  }
0x19: {  	_ = 	snop  }
0x1a: {  	[tilespmem:s14], [sflag:$0x3] =	stream.linear.gather [hbm4b:s7+s3], $0x4000, $0x38;
	[tilespmem:$0x11000] =	vst v63  }
0x1b: {  	_ = 	snop  }
0x1c: {  	[tilespmem:s15], [sflag:$0x4] =	stream.linear.gather [hbm4b:s8+s3], $0x4000, $0x38;
	[tilespmem:$0x11000] =	vst v63  }
0x1d: {  	_ =	swait.ge [sflag:s16], $0x4000  }
0x1e: {  	[sflag:s16] =	ssyncset.done $0x0  }
0x1f: {  	s0 =	simm.s32 $0x0;
	[sflag:s16] =	ssyncadd.s32 $0xFFFFC000  }
0x20: {  	[hbm4b:s2+s17] =	stream.indirect.scatter [tilespmem:s12], [sflag:$0x5], $0x80, s0, s17, $0xb8;
	[tilespmem:$0x11000] =	vst v63  }
0x21: {  	_ =	swait.ge [sflag:s18], $0x4000  }
0x22: {  	[sflag:s18] =	ssyncset.done $0x0  }
0x23: {  	s10 =	simm.s32 $0x80;
	[sflag:s18] =	ssyncadd.s32 $0xFFFFC000  }
0x24: {  	[hbm4b:s2+s17] =	stream.indirect.scatter [tilespmem:s13], [sflag:$0x6], $0x80, s10, s17, $0xb8;
	[tilespmem:$0x11000] =	vst v63  }
0x25: {  	_ =	swait.ge [sflag:s19], $0x4000  }
0x26: {  	[sflag:s19] =	ssyncset.done $0x0  }
0x27: {  	s25 =	simm.s32 $0x100;
	[sflag:s19] =	ssyncadd.s32 $0xFFFFC000  }
0x28: {  	[hbm4b:s2+s17] =	stream.indirect.scatter [tilespmem:s14], [sflag:$0x7], $0x80, s25, s17, $0xb8;
	[tilespmem:$0x11000] =	vst v63  }
0x29: {  	_ =	swait.ge [sflag:s20], $0x4000  }
0x2a: {  	[sflag:s20] =	ssyncset.done $0x0  }
0x2b: {  	s26 =	simm.s32 $0x180;
	[sflag:s20] =	ssyncadd.s32 $0xFFFFC000  }
0x2c: {  	[hbm4b:s2+s17] =	stream.indirect.scatter [tilespmem:s15], [sflag:$0x8], $0x80, s26, s17, $0xb8;
	[tilespmem:$0x11000] =	vst v63  }
0x2d: {  	_ =	swait.ge [sflag:s21], $0x4000  }
0x2e: {  	[sflag:s21] =	ssyncset.done $0x0  }
0x2f: {  	s10 =	sadd.s32 $0xFFFFE800, s1;
	[sflag:s21] =	ssyncadd.s32 $0xFFFFC000  }
0x30: {  	[tilespmem:s12], [sflag:$0x1] =	stream.linear.gather [hbm4b:s10+s3], $0x4000, $0x38;
	[tilespmem:$0x11000] =	vst v63  }
0x31: {  	_ =	swait.ge [sflag:s22], $0x4000  }
0x32: {  	[sflag:s22] =	ssyncset.done $0x0  }
0x33: {  	s25 =	sadd.s32 $0xFFFFF000, s1;
	[sflag:s22] =	ssyncadd.s32 $0xFFFFC000  }
0x34: {  	[tilespmem:s13], [sflag:$0x2] =	stream.linear.gather [hbm4b:s25+s3], $0x4000, $0x38;
	[tilespmem:$0x11000] =	vst v63  }
0x35: {  	_ =	swait.ge [sflag:s23], $0x4000  }
0x36: {  	[sflag:s23] =	ssyncset.done $0x0  }
0x37: {  	s26 =	sadd.s32 $0xFFFFF800, s1;
	[sflag:s23] =	ssyncadd.s32 $0xFFFFC000  }
0x38: {  	[tilespmem:s14], [sflag:$0x3] =	stream.linear.gather [hbm4b:s26+s3], $0x4000, $0x38;
	[tilespmem:$0x11000] =	vst v63  }
0x39: {  	_ =	swait.ge [sflag:s24], $0x4000  }
0x3a: {  	s31 =	simm.s32 $0x800;
	[sflag:s24] =	ssyncset.done $0x0  }
0x3b: {  	s0 =	sadd.s32 $0x2000, s1;
	s10 =	smov.u32 s1;
	[sflag:s24] =	ssyncadd.s32 $0xFFFFC000  }
.LBB2_2:
0x3c: {  	[tilespmem:s15], [sflag:$0x4] =	stream.linear.gather [hbm4b:s10+s3], $0x4000, $0x38;
	[tilespmem:$0x11000] =	vst v63  }
0x3d: {  	s25 =	smov.u32 s31;
	s10 =	smov.u32 s0  }
0x3e: {  	p0 =	sne.s32 s31, $0x3000;
	s31 =	sadd.s32 $0x800, s31;
	_ =	swait.ge [sflag:s16], $0x4000  }
0x3f: {  	[sflag:s16] =	ssyncset.done $0x0  }
0x40: {  	s25 =	sshra.s32 s25, $0x2;
	[sflag:s16] =	ssyncadd.s32 $0xFFFFC000  }
0x41: {  	[hbm4b:s2+s17] =	stream.indirect.scatter [tilespmem:s12], [sflag:$0x5], $0x80, s25, s17, $0xb8;
	[tilespmem:$0x11000] =	vst v63  }
0x42: {  	_ =	swait.ge [sflag:s18], $0x4000  }
0x43: {  	[sflag:s18] =	ssyncset.done $0x0  }
0x44: {  	s26 =	sadd.s32 $0x80, s25;
	[sflag:s18] =	ssyncadd.s32 $0xFFFFC000  }
0x45: {  	[hbm4b:s2+s17] =	stream.indirect.scatter [tilespmem:s13], [sflag:$0x6], $0x80, s26, s17, $0xb8;
	[tilespmem:$0x11000] =	vst v63  }
0x46: {  	_ =	swait.ge [sflag:s19], $0x4000  }
0x47: {  	[sflag:s19] =	ssyncset.done $0x0  }
0x48: {  	s26 =	sadd.s32 $0x100, s25;
	[sflag:s19] =	ssyncadd.s32 $0xFFFFC000  }
0x49: {  	[hbm4b:s2+s17] =	stream.indirect.scatter [tilespmem:s14], [sflag:$0x7], $0x80, s26, s17, $0xb8;
	[tilespmem:$0x11000] =	vst v63  }
0x4a: {  	_ =	swait.ge [sflag:s20], $0x4000  }
0x4b: {  	[sflag:s20] =	ssyncset.done $0x0  }
0x4c: {  	s25 =	sadd.s32 $0x180, s25;
	[sflag:s20] =	ssyncadd.s32 $0xFFFFC000  }
0x4d: {  	[hbm4b:s2+s17] =	stream.indirect.scatter [tilespmem:s15], [sflag:$0x8], $0x80, s25, s17, $0xb8;
	[tilespmem:$0x11000] =	vst v63  }
0x4e: {  	_ =	swait.ge [sflag:s21], $0x4000  }
0x4f: {  	[sflag:s21] =	ssyncset.done $0x0  }
0x50: {  	s25 =	sadd.s32 $0xFFFFE800, s0;
	[sflag:s21] =	ssyncadd.s32 $0xFFFFC000  }
0x51: {  	[tilespmem:s12], [sflag:$0x1] =	stream.linear.gather [hbm4b:s25+s3], $0x4000, $0x38;
	[tilespmem:$0x11000] =	vst v63  }
0x52: {  	_ =	swait.ge [sflag:s22], $0x4000  }
0x53: {  	[sflag:s22] =	ssyncset.done $0x0  }
0x54: {  	s25 =	sadd.s32 $0xFFFFF000, s0;
	[sflag:s22] =	ssyncadd.s32 $0xFFFFC000  }
0x55: {  	[tilespmem:s13], [sflag:$0x2] =	stream.linear.gather [hbm4b:s25+s3], $0x4000, $0x38;
	[tilespmem:$0x11000] =	vst v63  }
0x56: {  	_ =	swait.ge [sflag:s23], $0x4000  }
0x57: {  	[sflag:s23] =	ssyncset.done $0x0  }
.Ltmp0:
0x58: {  	s25 =	sadd.s32 $0xFFFFF800, s0;
	[sflag:s23] =	ssyncadd.s32 $0xFFFFC000;
	(pc) =	sbr.rel @p0 .LBB2_2-.Ltmp0, $4  }
0x59: {  	[tilespmem:s14], [sflag:$0x3] =	stream.linear.gather [hbm4b:s25+s3], $0x4000, $0x38;
	[tilespmem:$0x11000] =	vst v63  }
0x5a: {  	_ =	swait.ge [sflag:s24], $0x4000  }
0x5b: {  	[sflag:s24] =	ssyncset.done $0x0  }
0x5c: {  	s0 =	sadd.s32 $0x2000, s0;
	[sflag:s24] =	ssyncadd.s32 $0xFFFFC000  }
0x5d: {  	[tilespmem:s15], [sflag:$0x4] =	stream.linear.gather [hbm4b:s10+s3], $0x4000, $0x38;
	[tilespmem:$0x11000] =	vst v63  }
0x5e: {  	_ =	swait.ge [sflag:s16], $0x4000  }
0x5f: {  	[sflag:s16] =	ssyncset.done $0x0  }
0x60: {  	s0 =	simm.s32 $0xE00;
	[sflag:s16] =	ssyncadd.s32 $0xFFFFC000  }
0x61: {  	[hbm4b:s2+s17] =	stream.indirect.scatter [tilespmem:s12], [sflag:$0x5], $0x80, s0, s17, $0xb8;
	[tilespmem:$0x11000] =	vst v63  }
0x62: {  	_ =	swait.ge [sflag:s18], $0x4000  }
0x63: {  	[sflag:s18] =	ssyncset.done $0x0  }
0x64: {  	s31 =	simm.s32 $0xE80;
	[sflag:s18] =	ssyncadd.s32 $0xFFFFC000  }
0x65: {  	[hbm4b:s2+s17] =	stream.indirect.scatter [tilespmem:s13], [sflag:$0x6], $0x80, s31, s17, $0xb8;
	[tilespmem:$0x11000] =	vst v63  }
0x66: {  	_ =	swait.ge [sflag:s19], $0x4000  }
0x67: {  	[sflag:s19] =	ssyncset.done $0x0  }
0x68: {  	[sflag:s19] =	ssyncadd.s32 $0xFFFFC000  }
0x69: {  	[hbm4b:s2+s17] =	stream.indirect.scatter [tilespmem:s14], [sflag:$0x7], $0x80, s28, s17, $0xb8;
	[tilespmem:$0x11000] =	vst v63  }
0x6a: {  	_ =	swait.ge [sflag:s20], $0x4000  }
0x6b: {  	[sflag:s20] =	ssyncset.done $0x0  }
0x6c: {  	[sflag:s20] =	ssyncadd.s32 $0xFFFFC000  }
0x6d: {  	[hbm4b:s2+s17] =	stream.indirect.scatter [tilespmem:s15], [sflag:$0x8], $0x80, s29, s17, $0xb8;
	[tilespmem:$0x11000] =	vst v63  }
0x6e: {  	_ =	swait.ge [sflag:s21], $0x4000  }
0x6f: {  	[sflag:s21] =	ssyncset.done $0x0  }
0x70: {  	[sflag:s21] =	ssyncadd.s32 $0xFFFFC000  }
0x71: {  	_ =	swait.ge [sflag:s22], $0x4000  }
0x72: {  	[sflag:s22] =	ssyncset.done $0x0  }
0x73: {  	s30 =	sadd.s32 $0x1, s30;
	[sflag:s22] =	ssyncadd.s32 $0xFFFFC000  }
0x74: {  	p0 =	sne.s32 s30, s9;
	_ =	swait.ge [sflag:s23], $0x4000  }
.Ltmp1:
0x75: {  	[sflag:s23] =	ssyncset.done $0x0;
	(pc) =	sbr.rel @p0 .LBB2_1-.Ltmp1, $4  }
0x76: {  	[sflag:s23] =	ssyncadd.s32 $0xFFFFC000  }
0x77: {  	_ =	swait.ge [sflag:s24], $0x4000  }
0x78: {  	[sflag:s24] =	ssyncset.done $0x0  }
0x79: {  	[sflag:s24] =	ssyncadd.s32 $0xFFFFC000  }
0x7a: {  	_ =	sfence.sel $0x180000  }
0x7b: {  	[bflag:$0x0] =	sbarrier.arrive $0xFFFF  }
0x7c: {  	_ =	strace $0x90000047  }
0x7d: {  	s0 =	stileid.u32;
	[bflag:$0x2] =	sbarrier.arrive $0xFFFF  }
0x7e: {  	p0 =	sne.s32 s0, $0x0;
	s0 =	rddreg [dreg:$0x3]  }
0x7f: {  	s0 =	sadd.s32 @!p0 $0x100000, s0  }
0x80: {  	[sflag:s0] =	ssyncadd.tile.s32 @!p0 $0x1;
	_ =	shalt  }
.Lfunc_end2:
_tile_overlayer_lowered:
.L_overlay_start_2:
0x81: {  	(tag) =	ssettag $0x2  }
0x82: {  	s0 =	rddreg [dreg:$0x0];
	s2 =	stileid.u32  }
0x83: {  	s1 =	rddreg [dreg:$0x1];
	p0 =	sne.s32 s2, $0x0  }
0x84: {  	s3 =	rddreg [dreg:$0x2];
	[bflag:$0x3] =	sbarrier.arrive $0xFFFF;
	s2 =	simm.s32 @!p0 $0x1C09  }
0x85: {  	[timem:s3], [sflag:s2] =	dma.local @!p0 [hbm:s0], s1  }
0x86: {  	s0 =	simm.s32 @!p0 $0x9  }
0x87: {  	_ =	swait.ge @!p0 [sflag:s0], s1  }
0x88: {  	s1 =	ssub.s32 @!p0 $0x0, s1;
	[sflag:s0] =	ssyncset.done @!p0 $0x0  }
0x89: {  	[sflag:s0] =	ssyncadd.s32 @!p0 s1  }
0x8a: {  	[bflag:$0x3] =	sbarrier.arrive $0xFFFF  }
0x8b: {  	_ =	shalt  }

</sc_bundles>
